<compile_context>
chip_gen: v7x
topology: tpu7x:2x2x1
jax: 0.10.2.dev20260603
libtpu: 0.0.44.dev20260713+nightly
codegen_flags: <defaults>
</compile_context>

<pallas_src>
import functools

import jax
import jax.numpy as jnp
from jax import lax
from jax.experimental import pallas as pl
from jax.experimental.pallas import tpu as pltpu
from jax.experimental.pallas import tpu_sc as plsc

IMG_H, IMG_W = 512, 512
HW = IMG_H * IMG_W
NSIGMA = 2
FOOT = 2 * NSIGMA + 1
P = FOOT * FOOT
NPTS = 500000

NW = 32
NPAD = 507904
TCB = 4096
NPARAM = 12
NPT = 128
NPC = NPAD // 2
SCAN = 2048
GB = 128
ROWS_PER_T = IMG_H // 16
HW16 = HW // 16


_SC_PARAMS = pltpu.CompilerParams(needs_layout_passes=False)


def _project_body(ct, cv, co, al, w_ref, k_ref, out_ref):
    x0 = ct[0, :]
    x1 = ct[1, :]
    x2 = ct[2, :]
    r00 = w_ref[0, 0]; r01 = w_ref[0, 1]; r02 = w_ref[0, 2]; t0 = w_ref[0, 3]
    r10 = w_ref[1, 0]; r11 = w_ref[1, 1]; r12 = w_ref[1, 2]; t1 = w_ref[1, 3]
    r20 = w_ref[2, 0]; r21 = w_ref[2, 1]; r22 = w_ref[2, 2]; t2 = w_ref[2, 3]
    fx = k_ref[0, 0]; cx = k_ref[0, 2]
    fy = k_ref[1, 1]; cy = k_ref[1, 2]

    x = r00 * x0 + r01 * x1 + r02 * x2 + t0
    y = r10 * x0 + r11 * x1 + r12 * x2 + t1
    z = r20 * x0 + r21 * x1 + r22 * x2 + t2
    z_safe = jnp.maximum(z, 1e-3)
    u = fx * x / z_safe + cx
    v = fy * y / z_safe + cy

    j00 = fx / z_safe
    j02 = -fx * x / (z_safe * z_safe)
    j11 = fy / z_safe
    j12 = -fy * y / (z_safe * z_safe)
    m00 = j00 * r00 + j02 * r20
    m01 = j00 * r01 + j02 * r21
    m02 = j00 * r02 + j02 * r22
    m10 = j11 * r10 + j12 * r20
    m11 = j11 * r11 + j12 * r21
    m12 = j11 * r12 + j12 * r22

    c00 = cv[0, :]; c01 = cv[1, :]; c02 = cv[2, :]
    c11 = cv[3, :]; c12 = cv[4, :]; c22 = cv[5, :]
    s0x = m00 * c00 + m01 * c01 + m02 * c02
    s0y = m00 * c01 + m01 * c11 + m02 * c12
    s0z = m00 * c02 + m01 * c12 + m02 * c22
    s1x = m10 * c00 + m11 * c01 + m12 * c02
    s1y = m10 * c01 + m11 * c11 + m12 * c12
    s1z = m10 * c02 + m11 * c12 + m12 * c22
    a = s0x * m00 + s0y * m01 + s0z * m02 + 1e-2
    b = s0x * m10 + s0y * m11 + s0z * m12
    c = s1x * m10 + s1y * m11 + s1z * m12 + 1e-2
    det = a * c - b * b
    inv_a = c / det
    inv_b = -b / det
    inv_c = a / det

    pu = jnp.round(u)
    pv = jnp.round(v)
    opac = jax.nn.sigmoid(al[0, :])
    opac = jnp.where(z > 0.1, opac, 0.0)

    out_ref[0, :] = u
    out_ref[1, :] = v
    out_ref[2, :] = pu
    out_ref[3, :] = pv
    out_ref[4, :] = inv_a
    out_ref[5, :] = inv_b
    out_ref[6, :] = inv_c
    out_ref[7, :] = opac
    out_ref[8, :] = jax.nn.sigmoid(co[0, :])
    out_ref[9, :] = jax.nn.sigmoid(co[1, :])
    out_ref[10, :] = jax.nn.sigmoid(co[2, :])
    out_ref[11, :] = jnp.zeros_like(u)


def _project(coords_t, covs_t, colors_t, alphas_t, W, K):
    grid = NPAD // TCB
    return pl.pallas_call(
        _project_body,
        grid=(grid,),
        in_specs=[
            pl.BlockSpec((3, TCB), lambda i: (0, i)),
            pl.BlockSpec((6, TCB), lambda i: (0, i)),
            pl.BlockSpec((3, TCB), lambda i: (0, i)),
            pl.BlockSpec((1, TCB), lambda i: (0, i)),
            pl.BlockSpec(memory_space=pltpu.SMEM),
            pl.BlockSpec(memory_space=pltpu.SMEM),
        ],
        out_specs=pl.BlockSpec((NPARAM, TCB), lambda i: (0, i)),
        out_shape=jax.ShapeDtypeStruct((NPARAM, NPAD), jnp.float32),
    )(coords_t, covs_t, colors_t, alphas_t, W, K)


_OFFS = [(float(dx), float(dy))
         for dy in range(-NSIGMA, NSIGMA + 1)
         for dx in range(-NSIGMA, NSIGMA + 1)]


def _splat_body(pv_hbm, pt_hbm, zeros_hbm, out_hbm, pvbuf, q, gbuf, gsem,
                acc_r, acc_g, acc_b, acc_w):
    cid = lax.axis_index("c")
    sid = lax.axis_index("s")
    iota = lax.iota(jnp.int32, 16)
    sbase = cid * NPC
    lo = sid * ROWS_PER_T
    lof = lo.astype(jnp.float32)
    hif = lof + float(ROWS_PER_T - 1)

    zsl = pl.ds(0, HW16)
    pltpu.sync_copy(zeros_hbm.at[zsl], acc_r)
    pltpu.sync_copy(zeros_hbm.at[zsl], acc_g)
    pltpu.sync_copy(zeros_hbm.at[zsl], acc_b)
    pltpu.sync_copy(zeros_hbm.at[zsl], acc_w)

    def zq(i, _):
        q[pl.ds(i * 16, 16)] = jnp.zeros((16,), jnp.int32)
        return 0

    lax.fori_loop(0, SCAN // 16, zq, 0)

    fld = [jnp.full((16,), f, jnp.int32) for f in range(NPARAM)]

    def scanblock(sb, _):
        off = sbase + sb * SCAN
        pltpu.sync_copy(pv_hbm.at[pl.ds(off, SCAN)], pvbuf)

        def scan16(i, qcnt):
            pv = pvbuf[pl.ds(i * 16, 16)]
            m = (pv >= lof - 2.0) & (pv <= hif + 2.0)
            mi = m.astype(jnp.int32)
            pos = qcnt + plsc.cumsum(mi) - 1
            gidx = off + i * 16 + iota
            plsc.store_scatter(q, [pos], gidx, mask=m)
            cnt = plsc.all_reduce_population_count(m)
            return qcnt + cnt[0]

        qcnt = lax.fori_loop(0, SCAN // 16, scan16, 0)

        def pchunk(ci, _):
            cbase = ci * GB
            pltpu.async_copy(pt_hbm.at[q.at[pl.ds(cbase, GB)]], gbuf,
                             gsem).wait()

            def cgroup(g, _):
                crow = g * 16 + iota
                lanev = (cbase + g * 16 + iota) < qcnt
                u = plsc.load_gather(gbuf, [crow, fld[0]])
                v = plsc.load_gather(gbuf, [crow, fld[1]])
                pu = plsc.load_gather(gbuf, [crow, fld[2]])
                pv = plsc.load_gather(gbuf, [crow, fld[3]])
                ia = plsc.load_gather(gbuf, [crow, fld[4]])
                ib2 = 2.0 * plsc.load_gather(gbuf, [crow, fld[5]])
                ic = plsc.load_gather(gbuf, [crow, fld[6]])
                opac = plsc.load_gather(gbuf, [crow, fld[7]])
                colr = plsc.load_gather(gbuf, [crow, fld[8]])
                colg = plsc.load_gather(gbuf, [crow, fld[9]])
                colb = plsc.load_gather(gbuf, [crow, fld[10]])
                opac = jnp.where(lanev, opac, 0.0)
                for o, (dx, dy) in enumerate(_OFFS):
                    px = pu + dx
                    py = pv + dy
                    du = px - u
                    dv = py - v
                    quad = ia * du * du + ib2 * du * dv + ic * dv * dv
                    w = opac * jnp.exp(-0.5 * quad)
                    okc = (px >= 0.0) & (px <= float(IMG_W - 1))
                    okr = (py >= lof) & (py <= hif)
                    w = jnp.where(okc & okr, w, 0.0)
                    pxc = jnp.clip(px, 0.0, float(IMG_W - 1))
                    pyc = jnp.clip(py, lof, hif)
                    lidx = ((pyc - lof) * float(IMG_W) + pxc).astype(jnp.int32)
                    plsc.addupdate_scatter(acc_r, [lidx], w * colr)
                    plsc.addupdate_scatter(acc_g, [lidx], w * colg)
                    plsc.addupdate_scatter(acc_b, [lidx], w * colb)
                    plsc.addupdate_scatter(acc_w, [lidx], w)
                return 0

            lax.fori_loop(0, GB // 16, cgroup, 0)
            return 0

        lax.fori_loop(0, 0, pchunk, 0)
        return 0

    lax.fori_loop(0, NPC // SCAN, scanblock, 0)

    osl = pl.ds(sid * HW16, HW16)
    pltpu.sync_copy(acc_r, out_hbm.at[cid, 0, osl])
    pltpu.sync_copy(acc_g, out_hbm.at[cid, 1, osl])
    pltpu.sync_copy(acc_b, out_hbm.at[cid, 2, osl])
    pltpu.sync_copy(acc_w, out_hbm.at[cid, 3, osl])


def _splat(pv_arr, params_t, zeros):
    mesh = plsc.VectorSubcoreMesh(core_axis_name="c", subcore_axis_name="s")
    f = functools.partial(
        pl.kernel,
        out_type=jax.ShapeDtypeStruct((2, 4, HW), jnp.float32),
        mesh=mesh,
        compiler_params=_SC_PARAMS,
        scratch_types=[
            pltpu.VMEM((SCAN,), jnp.float32),
            pltpu.VMEM((SCAN + 16,), jnp.int32),
            pltpu.VMEM((GB, NPT), jnp.float32),
            pltpu.SemaphoreType.DMA,
            pltpu.VMEM((HW16,), jnp.float32),
            pltpu.VMEM((HW16,), jnp.float32),
            pltpu.VMEM((HW16,), jnp.float32),
            pltpu.VMEM((HW16,), jnp.float32),
        ],
    )(_splat_body)
    return f(pv_arr, params_t, zeros)


PIX_PER_W = HW // NW
PIXBLK = 512


def _combine_body(parts_hbm, out_hbm, buf, stage):
    cid = lax.axis_index("c")
    sid = lax.axis_index("s")
    wid = cid * 16 + sid

    def block(bi, _):
        pix0 = wid * PIX_PER_W + bi * PIXBLK
        psl = pl.ds(pix0, PIXBLK)
        for c in range(2):
            for ch in range(4):
                pltpu.sync_copy(parts_hbm.at[c, ch, psl], buf.at[c * 4 + ch])

        def group(gi, _):
            sl = pl.ds(gi * 16, 16)
            wsum = buf[3, sl] + buf[7, sl] + 1e-8
            stage[0, sl] = (buf[0, sl] + buf[4, sl]) / wsum
            stage[1, sl] = (buf[1, sl] + buf[5, sl]) / wsum
            stage[2, sl] = (buf[2, sl] + buf[6, sl]) / wsum
            return 0

        lax.fori_loop(0, PIXBLK // 16, group, 0)
        pltpu.sync_copy(stage, out_hbm.at[:, psl])
        return 0

    lax.fori_loop(0, PIX_PER_W // PIXBLK, block, 0)


def _combine(parts):
    mesh = plsc.VectorSubcoreMesh(core_axis_name="c", subcore_axis_name="s")
    f = functools.partial(
        pl.kernel,
        out_type=jax.ShapeDtypeStruct((3, HW), jnp.float32),
        mesh=mesh,
        scratch_types=[
            pltpu.VMEM((8, PIXBLK), jnp.float32),
            pltpu.VMEM((3, PIXBLK), jnp.float32),
        ],
    )(_combine_body)
    return f(parts)


def kernel(coords, covariances, colors, alphas, W, K):
    n = coords.shape[0]
    pad = NPAD - n
    coords_p = jnp.concatenate(
        [coords,
         jnp.tile(jnp.array([[0.0, -1000.0, 0.0]], jnp.float32), (pad, 1))])
    coords_t = coords_p.T
    cov6 = covariances.reshape(n, 9)[:, jnp.array([0, 1, 2, 4, 5, 8])]
    covs_t = jnp.pad(cov6, ((0, pad), (0, 0))).T
    colors_t = jnp.pad(colors, ((0, pad), (0, 0))).T
    alphas_t = jnp.pad(alphas, (0, pad), constant_values=-1e4)[None, :]

    params = _project(coords_t, covs_t, colors_t, alphas_t, W, K)
    pv_arr = params[3]
    params_t = jnp.pad(params.T, ((0, 0), (0, NPT - NPARAM)))
    zeros = jnp.zeros((HW,), jnp.float32)
    parts = _splat(pv_arr, params_t, zeros)
    img = _combine(parts)
    return img.T.reshape(IMG_H, IMG_W, 3)

# --- scband reference (transcript-rebuilt; emitter-appended) ---
"""Pipeline reference for scband-vgne-rf-2396591751241 (READ-ONLY COPY).

The authoritative reference and input builder live on the scoring server;
editing this copy changes nothing except your own understanding.
"""

import jax, jax.numpy as jnp
import numpy as np

IMG_H, IMG_W = 512, 512
NSIGMA = 2
N_PTS = 500000

def setup_inputs(seed: int = 0) -> dict:
    key = jax.random.key(seed)
    k1, k2, k3, k4 = jax.random.split(key, 4)
    # point cloud in front of camera (camera looks down +z after W translate)
    coords = jax.random.normal(k1, (N_PTS, 3), dtype=jnp.float32) * jnp.array([1.0, 1.0, 0.5], jnp.float32)
    # SPD covariances: L L^T + eps I
    L = 0.05 * jax.random.normal(k2, (N_PTS, 3, 3), dtype=jnp.float32)
    covariances = jnp.einsum('nij,nkj->nik', L, L) + 1e-4 * jnp.eye(3, dtype=jnp.float32)
    colors = jax.random.normal(k3, (N_PTS, 3), dtype=jnp.float32)
    alphas = jax.random.normal(k4, (N_PTS,), dtype=jnp.float32)
    # world-to-camera pose: identity rotation, translate z by +4 so points are in front
    W = jnp.eye(4, dtype=jnp.float32).at[2, 3].set(4.0)
    # pinhole intrinsics
    K = jnp.array([[500.0, 0.0, IMG_W / 2.0],
                   [0.0, 500.0, IMG_H / 2.0],
                   [0.0, 0.0, 1.0]], dtype=jnp.float32)
    return {"coords": coords, "covariances": covariances, "colors": colors,
            "alphas": alphas, "W": W, "K": K}


def rasterize(sfm_coords, sfm_covs, sfm_colors, sfm_alphas, W, K, img_size, nsigma):
    H, Wimg = img_size
    N = sfm_coords.shape[0]
    # world -> camera
    pts_h = jnp.concatenate([sfm_coords, jnp.ones((N, 1), sfm_coords.dtype)], axis=1)
    cam = pts_h @ W.T  # [N,4]
    x, y, z = cam[:, 0], cam[:, 1], cam[:, 2]
    z_safe = jnp.maximum(z, 1e-3)
    fx, fy = K[0, 0], K[1, 1]
    u = fx * x / z_safe + K[0, 2]
    v = fy * y / z_safe + K[1, 2]
    # projection Jacobian for covariance (EWA splatting)
    zeros = jnp.zeros_like(z_safe)
    J = jnp.stack([
        jnp.stack([fx / z_safe, zeros, -fx * x / (z_safe ** 2)], axis=-1),
        jnp.stack([zeros, fy / z_safe, -fy * y / (z_safe ** 2)], axis=-1)], axis=1)  # [N,2,3]
    R = W[:3, :3]
    cov_cam = jnp.einsum('ij,njk,lk->nil', R, sfm_covs, R)  # [N,3,3]
    S = jnp.einsum('nij,njk,nlk->nil', J, cov_cam, J) + 1e-2 * jnp.eye(2, dtype=sfm_covs.dtype)  # [N,2,2]
    a = S[:, 0, 0]; b = S[:, 0, 1]; c = S[:, 1, 1]
    det = a * c - b * b
    inv_a = c / det; inv_b = -b / det; inv_c = a / det
    # fixed (2*nsigma+1)^2 pixel footprint around projected center
    offs = jnp.arange(-nsigma, nsigma + 1)
    dyy, dxx = jnp.meshgrid(offs, offs, indexing='ij')
    dxx = dxx.reshape(-1).astype(jnp.float32)
    dyy = dyy.reshape(-1).astype(jnp.float32)  # [P]
    pu = jnp.round(u); pv = jnp.round(v)
    px = pu[:, None] + dxx[None, :]  # [N,P]
    py = pv[:, None] + dyy[None, :]
    du = px - u[:, None]
    dv = py - v[:, None]
    quad = inv_a[:, None] * du * du + 2.0 * inv_b[:, None] * du * dv + inv_c[:, None] * dv * dv
    g = jnp.exp(-0.5 * quad)
    opac = jax.nn.sigmoid(sfm_alphas)[:, None]
    w = opac * g
    valid = (px >= 0) & (px < Wimg) & (py >= 0) & (py < H) & (z[:, None] > 0.1)
    w = jnp.where(valid, w, 0.0)
    idx = (py.astype(jnp.int32) * Wimg + px.astype(jnp.int32))
    idx = jnp.clip(idx, 0, H * Wimg - 1).reshape(-1)
    col = jax.nn.sigmoid(sfm_colors)
    wc = (w[..., None] * col[:, None, :]).reshape(-1, 3)
    wflat = w.reshape(-1)
    acc_c = jnp.zeros((H * Wimg, 3), dtype=jnp.float32).at[idx].add(wc)
    acc_w = jnp.zeros((H * Wimg,), dtype=jnp.float32).at[idx].add(wflat)
    img = acc_c / (acc_w[:, None] + 1e-8)
    return img.reshape(H, Wimg, 3)


def reference(coords, covariances, colors, alphas, W, K):
    return rasterize(coords, covariances, colors, alphas, W, K, (IMG_H, IMG_W), NSIGMA)

if __name__ == "__main__":
    import jax
    _d = setup_inputs()
    print(jax.jit(kernel)(*tuple(_d.values())))

</pallas_src>

<mosaic_0001>
#map = affine_map<(d0, d1) -> (0)>
#map1 = affine_map<(d0, d1) -> (0, 0)>
#map2 = affine_map<(d0, d1) -> (0, 0, 0)>
module attributes {stable_mosaic.version = 14 : i64} {
  func.func @_splat_body(%arg0: i32, %arg1: i32, %arg2: memref<507904xf32, #tpu.memory_space<hbm>>, %arg3: memref<507904x128xf32, #tpu.memory_space<hbm>>, %arg4: memref<262144xf32, #tpu.memory_space<hbm>>, %arg5: memref<2x4x262144xf32, #tpu.memory_space<hbm>>, %arg6: memref<2048xf32, #tpu.memory_space<vmem>>, %arg7: memref<2064xi32, #tpu.memory_space<vmem>>, %arg8: memref<128x128xf32, #tpu.memory_space<vmem>>, %arg9: memref<!tpu.dma_semaphore, #tpu.memory_space<semaphore_mem>>, %arg10: memref<16384xf32, #tpu.memory_space<vmem>>, %arg11: memref<16384xf32, #tpu.memory_space<vmem>>, %arg12: memref<16384xf32, #tpu.memory_space<vmem>>, %arg13: memref<16384xf32, #tpu.memory_space<vmem>>) attributes {dimension_semantics = [#tpu.dimension_semantics<core_parallel>, #tpu.dimension_semantics<subcore_parallel>], iteration_bounds = array<i64: 2, 16>, scalar_prefetch = 0 : i64, scratch_operands = 8 : i64, tpu.core_type = #tpu.core_type<sc_vector_subcore>, window_params = [{transform_indices = #map}, {transform_indices = #map1}, {transform_indices = #map}, {transform_indices = #map2}]} {
    %iota3A = tpu.iota {dimensions = array<i32: 0>} : vector<16xi32>
    %mul3A = arith.constant 253952 : i32
    %mul3A_0 = arith.muli %arg0, %mul3A : i32
    %mul3A_1 = arith.constant 32 : i32
    %mul3A_2 = arith.muli %arg1, %mul3A_1 : i32
    %convert_element_type3A = arith.sitofp %mul3A_2 : i32 to f32
    %add3A = arith.constant 3.100000e+01 : f32
    %add3A_3 = arith.addf %convert_element_type3A, %add3A : f32
    "tpu.region"() ({
      %run_scoped3A_45 = tpu.sem_alloc : memref<!tpu.dma_semaphore, #tpu.memory_space<semaphore_mem>>
      %dma_start3A = arith.constant 0 : i32
      %dma_start3A_46 = tpu.memref_slice %arg4[%dma_start3A] : memref<262144xf32, #tpu.memory_space<hbm>> -> memref<16384xf32, #tpu.memory_space<hbm>>
      %dma_start3A_47 = arith.constant 0 : i32
      %dma_start3A_48 = tpu.memref_slice %arg4[%dma_start3A_47] : memref<262144xf32, #tpu.memory_space<hbm>> -> memref<16384xf32, #tpu.memory_space<hbm>>
      tpu.enqueue_dma source(%dma_start3A_48 : memref<16384xf32, #tpu.memory_space<hbm>>) target(%arg10 : memref<16384xf32, #tpu.memory_space<vmem>>) target_semaphore(%run_scoped3A_45 : memref<!tpu.dma_semaphore, #tpu.memory_space<semaphore_mem>>)
      %dma_wait3A = arith.constant 0 : i32
      %dma_wait3A_49 = tpu.memref_slice %arg4[%dma_wait3A] : memref<262144xf32, #tpu.memory_space<hbm>> -> memref<16384xf32, #tpu.memory_space<hbm>>
      %dma_wait3A_50 = arith.constant 0 : i32
      %dma_wait3A_51 = tpu.memref_slice %arg4[%dma_wait3A_50] : memref<262144xf32, #tpu.memory_space<hbm>> -> memref<16384xf32, #tpu.memory_space<hbm>>
      tpu.wait_dma2 semaphore(%run_scoped3A_45 : memref<!tpu.dma_semaphore, #tpu.memory_space<semaphore_mem>>) src(%dma_wait3A_51 : memref<16384xf32, #tpu.memory_space<hbm>>) dst(%arg10 : memref<16384xf32, #tpu.memory_space<vmem>>)
      tpu.yield
    }) : () -> ()
    "tpu.region"() ({
      %run_scoped3A_45 = tpu.sem_alloc : memref<!tpu.dma_semaphore, #tpu.memory_space<semaphore_mem>>
      %dma_start3A = arith.constant 0 : i32
      %dma_start3A_46 = tpu.memref_slice %arg4[%dma_start3A] : memref<262144xf32, #tpu.memory_space<hbm>> -> memref<16384xf32, #tpu.memory_space<hbm>>
      %dma_start3A_47 = arith.constant 0 : i32
      %dma_start3A_48 = tpu.memref_slice %arg4[%dma_start3A_47] : memref<262144xf32, #tpu.memory_space<hbm>> -> memref<16384xf32, #tpu.memory_space<hbm>>
      tpu.enqueue_dma source(%dma_start3A_48 : memref<16384xf32, #tpu.memory_space<hbm>>) target(%arg11 : memref<16384xf32, #tpu.memory_space<vmem>>) target_semaphore(%run_scoped3A_45 : memref<!tpu.dma_semaphore, #tpu.memory_space<semaphore_mem>>)
      %dma_wait3A = arith.constant 0 : i32
      %dma_wait3A_49 = tpu.memref_slice %arg4[%dma_wait3A] : memref<262144xf32, #tpu.memory_space<hbm>> -> memref<16384xf32, #tpu.memory_space<hbm>>
      %dma_wait3A_50 = arith.constant 0 : i32
      %dma_wait3A_51 = tpu.memref_slice %arg4[%dma_wait3A_50] : memref<262144xf32, #tpu.memory_space<hbm>> -> memref<16384xf32, #tpu.memory_space<hbm>>
      tpu.wait_dma2 semaphore(%run_scoped3A_45 : memref<!tpu.dma_semaphore, #tpu.memory_space<semaphore_mem>>) src(%dma_wait3A_51 : memref<16384xf32, #tpu.memory_space<hbm>>) dst(%arg11 : memref<16384xf32, #tpu.memory_space<vmem>>)
      tpu.yield
    }) : () -> ()
    "tpu.region"() ({
      %run_scoped3A_45 = tpu.sem_alloc : memref<!tpu.dma_semaphore, #tpu.memory_space<semaphore_mem>>
      %dma_start3A = arith.constant 0 : i32
      %dma_start3A_46 = tpu.memref_slice %arg4[%dma_start3A] : memref<262144xf32, #tpu.memory_space<hbm>> -> memref<16384xf32, #tpu.memory_space<hbm>>
      %dma_start3A_47 = arith.constant 0 : i32
      %dma_start3A_48 = tpu.memref_slice %arg4[%dma_start3A_47] : memref<262144xf32, #tpu.memory_space<hbm>> -> memref<16384xf32, #tpu.memory_space<hbm>>
      tpu.enqueue_dma source(%dma_start3A_48 : memref<16384xf32, #tpu.memory_space<hbm>>) target(%arg12 : memref<16384xf32, #tpu.memory_space<vmem>>) target_semaphore(%run_scoped3A_45 : memref<!tpu.dma_semaphore, #tpu.memory_space<semaphore_mem>>)
      %dma_wait3A = arith.constant 0 : i32
      %dma_wait3A_49 = tpu.memref_slice %arg4[%dma_wait3A] : memref<262144xf32, #tpu.memory_space<hbm>> -> memref<16384xf32, #tpu.memory_space<hbm>>
      %dma_wait3A_50 = arith.constant 0 : i32
      %dma_wait3A_51 = tpu.memref_slice %arg4[%dma_wait3A_50] : memref<262144xf32, #tpu.memory_space<hbm>> -> memref<16384xf32, #tpu.memory_space<hbm>>
      tpu.wait_dma2 semaphore(%run_scoped3A_45 : memref<!tpu.dma_semaphore, #tpu.memory_space<semaphore_mem>>) src(%dma_wait3A_51 : memref<16384xf32, #tpu.memory_space<hbm>>) dst(%arg12 : memref<16384xf32, #tpu.memory_space<vmem>>)
      tpu.yield
    }) : () -> ()
    "tpu.region"() ({
      %run_scoped3A_45 = tpu.sem_alloc : memref<!tpu.dma_semaphore, #tpu.memory_space<semaphore_mem>>
      %dma_start3A = arith.constant 0 : i32
      %dma_start3A_46 = tpu.memref_slice %arg4[%dma_start3A] : memref<262144xf32, #tpu.memory_space<hbm>> -> memref<16384xf32, #tpu.memory_space<hbm>>
      %dma_start3A_47 = arith.constant 0 : i32
      %dma_start3A_48 = tpu.memref_slice %arg4[%dma_start3A_47] : memref<262144xf32, #tpu.memory_space<hbm>> -> memref<16384xf32, #tpu.memory_space<hbm>>
      tpu.enqueue_dma source(%dma_start3A_48 : memref<16384xf32, #tpu.memory_space<hbm>>) target(%arg13 : memref<16384xf32, #tpu.memory_space<vmem>>) target_semaphore(%run_scoped3A_45 : memref<!tpu.dma_semaphore, #tpu.memory_space<semaphore_mem>>)
      %dma_wait3A = arith.constant 0 : i32
      %dma_wait3A_49 = tpu.memref_slice %arg4[%dma_wait3A] : memref<262144xf32, #tpu.memory_space<hbm>> -> memref<16384xf32, #tpu.memory_space<hbm>>
      %dma_wait3A_50 = arith.constant 0 : i32
      %dma_wait3A_51 = tpu.memref_slice %arg4[%dma_wait3A_50] : memref<262144xf32, #tpu.memory_space<hbm>> -> memref<16384xf32, #tpu.memory_space<hbm>>
      tpu.wait_dma2 semaphore(%run_scoped3A_45 : memref<!tpu.dma_semaphore, #tpu.memory_space<semaphore_mem>>) src(%dma_wait3A_51 : memref<16384xf32, #tpu.memory_space<hbm>>) dst(%arg13 : memref<16384xf32, #tpu.memory_space<vmem>>)
      tpu.yield
    }) : () -> ()
    %scan3A = arith.constant 0 : i32
    %scan3A_4 = arith.constant 0 : i32
    %scan3A_5 = arith.constant 128 : i32
    %scan3A_6 = arith.addi %scan3A_4, %scan3A_5 : i32
    %scan3A_7 = arith.constant 1 : i32
    %scan3A_8 = scf.for %scan3A_45 = %scan3A_4 to %scan3A_6 step %scan3A_7 iter_args(%scan3A_46 = %scan3A) -> (i32)  : i32 {
      %broadcast_in_dim3A_47 = arith.constant 0 : i32
      %broadcast_in_dim3A_48 = vector.broadcast %broadcast_in_dim3A_47 : i32 to vector<16xi32>
      %mul3A_49 = arith.constant 16 : i32
      %mul3A_50 = arith.muli %scan3A_45, %mul3A_49 : i32
      %swap3A = arith.index_cast %mul3A_50 : i32 to index
      %swap3A_51 = tpu.vector_load %arg7[%swap3A] {strides = array<i32>} : memref<2064xi32, #tpu.memory_space<vmem>>, vector<16xi32>,
      tpu.vector_store %arg7[%swap3A], %broadcast_in_dim3A_48 {strides = array<i32>} : memref<2064xi32, #tpu.memory_space<vmem>>, vector<16xi32>,
      %scan3A_52 = arith.constant 0 : i32
      scf.yield %scan3A_52 : i32
    }
    %scan3A_9 = arith.constant 128 : i32
    %broadcast_in_dim3A = arith.constant 0 : i32
    %broadcast_in_dim3A_10 = vector.broadcast %broadcast_in_dim3A : i32 to vector<16xi32>
    %broadcast_in_dim3A_11 = arith.constant 1 : i32
    %broadcast_in_dim3A_12 = vector.broadcast %broadcast_in_dim3A_11 : i32 to vector<16xi32>
    %broadcast_in_dim3A_13 = arith.constant 2 : i32
    %broadcast_in_dim3A_14 = vector.broadcast %broadcast_in_dim3A_13 : i32 to vector<16xi32>
    %broadcast_in_dim3A_15 = arith.constant 3 : i32
    %broadcast_in_dim3A_16 = vector.broadcast %broadcast_in_dim3A_15 : i32 to vector<16xi32>
    %broadcast_in_dim3A_17 = arith.constant 4 : i32
    %broadcast_in_dim3A_18 = vector.broadcast %broadcast_in_dim3A_17 : i32 to vector<16xi32>
    %broadcast_in_dim3A_19 = arith.constant 5 : i32
    %broadcast_in_dim3A_20 = vector.broadcast %broadcast_in_dim3A_19 : i32 to vector<16xi32>
    %broadcast_in_dim3A_21 = arith.constant 6 : i32
    %broadcast_in_dim3A_22 = vector.broadcast %broadcast_in_dim3A_21 : i32 to vector<16xi32>
    %broadcast_in_dim3A_23 = arith.constant 7 : i32
    %broadcast_in_dim3A_24 = vector.broadcast %broadcast_in_dim3A_23 : i32 to vector<16xi32>
    %broadcast_in_dim3A_25 = arith.constant 8 : i32
    %broadcast_in_dim3A_26 = vector.broadcast %broadcast_in_dim3A_25 : i32 to vector<16xi32>
    %broadcast_in_dim3A_27 = arith.constant 9 : i32
    %broadcast_in_dim3A_28 = vector.broadcast %broadcast_in_dim3A_27 : i32 to vector<16xi32>
    %broadcast_in_dim3A_29 = arith.constant 10 : i32
    %broadcast_in_dim3A_30 = vector.broadcast %broadcast_in_dim3A_29 : i32 to vector<16xi32>
    %broadcast_in_dim3A_31 = arith.constant 11 : i32
    %broadcast_in_dim3A_32 = vector.broadcast %broadcast_in_dim3A_31 : i32 to vector<16xi32>
    %scan3A_33 = arith.constant 0 : i32
    %scan3A_34 = arith.constant 0 : i32
    %scan3A_35 = arith.constant 124 : i32
    %scan3A_36 = arith.addi %scan3A_34, %scan3A_35 : i32
    %scan3A_37 = arith.constant 1 : i32
    %scan3A_38 = scf.for %scan3A_45 = %scan3A_34 to %scan3A_36 step %scan3A_37 iter_args(%scan3A_46 = %scan3A_33) -> (i32)  : i32 {
      %mul3A_47 = arith.constant 2048 : i32
      %mul3A_48 = arith.muli %scan3A_45, %mul3A_47 : i32
      %add3A_49 = arith.addi %mul3A_0, %mul3A_48 : i32
      "tpu.region"() ({
        %run_scoped3A_63 = tpu.sem_alloc : memref<!tpu.dma_semaphore, #tpu.memory_space<semaphore_mem>>
        %dma_start3A = tpu.memref_slice %arg2[%add3A_49] : memref<507904xf32, #tpu.memory_space<hbm>> -> memref<2048xf32, #tpu.memory_space<hbm>>
        %dma_start3A_64 = tpu.memref_slice %arg2[%add3A_49] : memref<507904xf32, #tpu.memory_space<hbm>> -> memref<2048xf32, #tpu.memory_space<hbm>>
        tpu.enqueue_dma source(%dma_start3A_64 : memref<2048xf32, #tpu.memory_space<hbm>>) target(%arg6 : memref<2048xf32, #tpu.memory_space<vmem>>) target_semaphore(%run_scoped3A_63 : memref<!tpu.dma_semaphore, #tpu.memory_space<semaphore_mem>>)
        %dma_wait3A = tpu.memref_slice %arg2[%add3A_49] : memref<507904xf32, #tpu.memory_space<hbm>> -> memref<2048xf32, #tpu.memory_space<hbm>>
        %dma_wait3A_65 = tpu.memref_slice %arg2[%add3A_49] : memref<507904xf32, #tpu.memory_space<hbm>> -> memref<2048xf32, #tpu.memory_space<hbm>>
        tpu.wait_dma2 semaphore(%run_scoped3A_63 : memref<!tpu.dma_semaphore, #tpu.memory_space<semaphore_mem>>) src(%dma_wait3A_65 : memref<2048xf32, #tpu.memory_space<hbm>>) dst(%arg6 : memref<2048xf32, #tpu.memory_space<vmem>>)
        tpu.yield
      }) : () -> ()
      %scan3A_50 = arith.constant 0 : i32
      %scan3A_51 = arith.constant 0 : i32
      %scan3A_52 = arith.constant 128 : i32
      %scan3A_53 = arith.addi %scan3A_51, %scan3A_52 : i32
      %scan3A_54 = arith.constant 1 : i32
      %scan3A_55 = scf.for %scan3A_63 = %scan3A_51 to %scan3A_53 step %scan3A_54 iter_args(%scan3A_64 = %scan3A_50) -> (i32)  : i32 {
        %mul3A_65 = arith.constant 16 : i32
        %mul3A_66 = arith.muli %scan3A_63, %mul3A_65 : i32
        %get3A = arith.index_cast %mul3A_66 : i32 to index
        %get3A_67 = tpu.vector_load %arg6[%get3A] {strides = array<i32>} : memref<2048xf32, #tpu.memory_space<vmem>>, vector<16xf32>,
        %sub3A = arith.constant 2.000000e+00 : f32
        %sub3A_68 = arith.subf %convert_element_type3A, %sub3A : f32
        %ge3A = vector.broadcast %sub3A_68 : f32 to vector<16xf32>
        %ge3A_69 = arith.cmpf oge, %get3A_67, %ge3A : vector<16xf32>
        %add3A_70 = arith.constant 2.000000e+00 : f32
        %add3A_71 = arith.addf %add3A_3, %add3A_70 : f32
        %le3A = vector.broadcast %add3A_71 : f32 to vector<16xf32>
        %le3A_72 = arith.cmpf ole, %get3A_67, %le3A : vector<16xf32>
        %and3A = arith.andi %ge3A_69, %le3A_72 : vector<16xi1>
        %convert_element_type3A_73 = arith.extui %and3A : vector<16xi1> to vector<16xi32>
        %broadcast_in_dim3A_74 = arith.constant true
        %broadcast_in_dim3A_75 = vector.broadcast %broadcast_in_dim3A_74 : i1 to vector<16xi1>
        %masked_cumsum3A = tpu.scan <sum>, %convert_element_type3A_73 masked %broadcast_in_dim3A_75 : vector<16xi32>, vector<16xi1> -> vector<16xi32>
        %add3A_76 = vector.broadcast %scan3A_64 : i32 to vector<16xi32>
        %add3A_77 = arith.addi %add3A_76, %masked_cumsum3A : vector<16xi32>
        %sub3A_78 = arith.constant 1 : i32
        %sub3A_79 = vector.broadcast %sub3A_78 : i32 to vector<16xi32>
        %sub3A_80 = arith.subi %add3A_77, %sub3A_79 : vector<16xi32>
        %mul3A_81 = arith.constant 16 : i32
        %mul3A_82 = arith.muli %scan3A_63, %mul3A_81 : i32
        %add3A_83 = arith.addi %add3A_49, %mul3A_82 : i32
        %add3A_84 = vector.broadcast %add3A_83 : i32 to vector<16xi32>
        %add3A_85 = arith.addi %add3A_84, %iota3A : vector<16xi32>
        tpu.vector_store_idx %arg7[%sub3A_80], %add3A_85 masked %and3A : memref<2064xi32, #tpu.memory_space<vmem>>[vector<16xi32>], vector<16xi32>, vector<16xi1>
        %all_reduce_population_count3A = tpu.all_reduce %and3A {dim = 0 : i64, kind = #tpu.reduction_kind<sum>} : vector<16xi1> -> vector<16xi32>
        %slice3A = vector.extract_strided_slice %all_reduce_population_count3A {offsets = [0], sizes = [1], strides = [1]} : vector<16xi32> to vector<1xi32>
        %squeeze3A = vector.extract %slice3A[0] : i32 from vector<1xi32>
        %add3A_86 = arith.addi %scan3A_64, %squeeze3A : i32
        scf.yield %add3A_86 : i32
      }
      %scan3A_56 = arith.constant 128 : i32
      %scan3A_57 = arith.constant 0 : i32
      %scan3A_58 = arith.constant 0 : i32
      %scan3A_59 = arith.constant 0 : i32
      %scan3A_60 = arith.addi %scan3A_58, %scan3A_59 : i32
      %scan3A_61 = arith.constant 0 : i32
      %scan3A_62 = arith.constant 0 : i32
      scf.yield %scan3A_62 : i32
    }
    %scan3A_39 = arith.constant 124 : i32
    %mul3A_40 = arith.constant 16384 : i32
    %mul3A_41 = arith.muli %arg1, %mul3A_40 : i32
    %run_scoped3A = arith.constant 0 : i32
    "tpu.region"() ({
      %run_scoped3A_45 = tpu.sem_alloc : memref<!tpu.dma_semaphore, #tpu.memory_space<semaphore_mem>>
      %dma_start3A = tpu.memref_slice %arg5[%arg0, %run_scoped3A, %mul3A_41] : memref<2x4x262144xf32, #tpu.memory_space<hbm>> -> memref<1x1x16384xf32, #tpu.memory_space<hbm>>
      %dma_start3A_46 = tpu.memref_squeeze %dma_start3A : memref<1x1x16384xf32, #tpu.memory_space<hbm>> -> memref<16384xf32, #tpu.memory_space<hbm>>
      %dma_start3A_47 = tpu.memref_slice %arg5[%arg0, %run_scoped3A, %mul3A_41] : memref<2x4x262144xf32, #tpu.memory_space<hbm>> -> memref<1x1x16384xf32, #tpu.memory_space<hbm>>
      %dma_start3A_48 = tpu.memref_squeeze %dma_start3A_47 : memref<1x1x16384xf32, #tpu.memory_space<hbm>> -> memref<16384xf32, #tpu.memory_space<hbm>>
      tpu.enqueue_dma source(%arg10 : memref<16384xf32, #tpu.memory_space<vmem>>) target(%dma_start3A_48 : memref<16384xf32, #tpu.memory_space<hbm>>) target_semaphore(%run_scoped3A_45 : memref<!tpu.dma_semaphore, #tpu.memory_space<semaphore_mem>>)
      %dma_wait3A = tpu.memref_slice %arg5[%arg0, %run_scoped3A, %mul3A_41] : memref<2x4x262144xf32, #tpu.memory_space<hbm>> -> memref<1x1x16384xf32, #tpu.memory_space<hbm>>
      %dma_wait3A_49 = tpu.memref_squeeze %dma_wait3A : memref<1x1x16384xf32, #tpu.memory_space<hbm>> -> memref<16384xf32, #tpu.memory_space<hbm>>
      %dma_wait3A_50 = tpu.memref_slice %arg5[%arg0, %run_scoped3A, %mul3A_41] : memref<2x4x262144xf32, #tpu.memory_space<hbm>> -> memref<1x1x16384xf32, #tpu.memory_space<hbm>>
      %dma_wait3A_51 = tpu.memref_squeeze %dma_wait3A_50 : memref<1x1x16384xf32, #tpu.memory_space<hbm>> -> memref<16384xf32, #tpu.memory_space<hbm>>
      tpu.wait_dma2 semaphore(%run_scoped3A_45 : memref<!tpu.dma_semaphore, #tpu.memory_space<semaphore_mem>>) src(%arg10 : memref<16384xf32, #tpu.memory_space<vmem>>) dst(%dma_wait3A_51 : memref<16384xf32, #tpu.memory_space<hbm>>)
      tpu.yield
    }) : () -> ()
    %run_scoped3A_42 = arith.constant 1 : i32
    "tpu.region"() ({
      %run_scoped3A_45 = tpu.sem_alloc : memref<!tpu.dma_semaphore, #tpu.memory_space<semaphore_mem>>
      %dma_start3A = tpu.memref_slice %arg5[%arg0, %run_scoped3A_42, %mul3A_41] : memref<2x4x262144xf32, #tpu.memory_space<hbm>> -> memref<1x1x16384xf32, #tpu.memory_space<hbm>>
      %dma_start3A_46 = tpu.memref_squeeze %dma_start3A : memref<1x1x16384xf32, #tpu.memory_space<hbm>> -> memref<16384xf32, #tpu.memory_space<hbm>>
      %dma_start3A_47 = tpu.memref_slice %arg5[%arg0, %run_scoped3A_42, %mul3A_41] : memref<2x4x262144xf32, #tpu.memory_space<hbm>> -> memref<1x1x16384xf32, #tpu.memory_space<hbm>>
      %dma_start3A_48 = tpu.memref_squeeze %dma_start3A_47 : memref<1x1x16384xf32, #tpu.memory_space<hbm>> -> memref<16384xf32, #tpu.memory_space<hbm>>
      tpu.enqueue_dma source(%arg11 : memref<16384xf32, #tpu.memory_space<vmem>>) target(%dma_start3A_48 : memref<16384xf32, #tpu.memory_space<hbm>>) target_semaphore(%run_scoped3A_45 : memref<!tpu.dma_semaphore, #tpu.memory_space<semaphore_mem>>)
      %dma_wait3A = tpu.memref_slice %arg5[%arg0, %run_scoped3A_42, %mul3A_41] : memref<2x4x262144xf32, #tpu.memory_space<hbm>> -> memref<1x1x16384xf32, #tpu.memory_space<hbm>>
      %dma_wait3A_49 = tpu.memref_squeeze %dma_wait3A : memref<1x1x16384xf32, #tpu.memory_space<hbm>> -> memref<16384xf32, #tpu.memory_space<hbm>>
      %dma_wait3A_50 = tpu.memref_slice %arg5[%arg0, %run_scoped3A_42, %mul3A_41] : memref<2x4x262144xf32, #tpu.memory_space<hbm>> -> memref<1x1x16384xf32, #tpu.memory_space<hbm>>
      %dma_wait3A_51 = tpu.memref_squeeze %dma_wait3A_50 : memref<1x1x16384xf32, #tpu.memory_space<hbm>> -> memref<16384xf32, #tpu.memory_space<hbm>>
      tpu.wait_dma2 semaphore(%run_scoped3A_45 : memref<!tpu.dma_semaphore, #tpu.memory_space<semaphore_mem>>) src(%arg11 : memref<16384xf32, #tpu.memory_space<vmem>>) dst(%dma_wait3A_51 : memref<16384xf32, #tpu.memory_space<hbm>>)
      tpu.yield
    }) : () -> ()
    %run_scoped3A_43 = arith.constant 2 : i32
    "tpu.region"() ({
      %run_scoped3A_45 = tpu.sem_alloc : memref<!tpu.dma_semaphore, #tpu.memory_space<semaphore_mem>>
      %dma_start3A = tpu.memref_slice %arg5[%arg0, %run_scoped3A_43, %mul3A_41] : memref<2x4x262144xf32, #tpu.memory_space<hbm>> -> memref<1x1x16384xf32, #tpu.memory_space<hbm>>
      %dma_start3A_46 = tpu.memref_squeeze %dma_start3A : memref<1x1x16384xf32, #tpu.memory_space<hbm>> -> memref<16384xf32, #tpu.memory_space<hbm>>
      %dma_start3A_47 = tpu.memref_slice %arg5[%arg0, %run_scoped3A_43, %mul3A_41] : memref<2x4x262144xf32, #tpu.memory_space<hbm>> -> memref<1x1x16384xf32, #tpu.memory_space<hbm>>
      %dma_start3A_48 = tpu.memref_squeeze %dma_start3A_47 : memref<1x1x16384xf32, #tpu.memory_space<hbm>> -> memref<16384xf32, #tpu.memory_space<hbm>>
      tpu.enqueue_dma source(%arg12 : memref<16384xf32, #tpu.memory_space<vmem>>) target(%dma_start3A_48 : memref<16384xf32, #tpu.memory_space<hbm>>) target_semaphore(%run_scoped3A_45 : memref<!tpu.dma_semaphore, #tpu.memory_space<semaphore_mem>>)
      %dma_wait3A = tpu.memref_slice %arg5[%arg0, %run_scoped3A_43, %mul3A_41] : memref<2x4x262144xf32, #tpu.memory_space<hbm>> -> memref<1x1x16384xf32, #tpu.memory_space<hbm>>
      %dma_wait3A_49 = tpu.memref_squeeze %dma_wait3A : memref<1x1x16384xf32, #tpu.memory_space<hbm>> -> memref<16384xf32, #tpu.memory_space<hbm>>
      %dma_wait3A_50 = tpu.memref_slice %arg5[%arg0, %run_scoped3A_43, %mul3A_41] : memref<2x4x262144xf32, #tpu.memory_space<hbm>> -> memref<1x1x16384xf32, #tpu.memory_space<hbm>>
      %dma_wait3A_51 = tpu.memref_squeeze %dma_wait3A_50 : memref<1x1x16384xf32, #tpu.memory_space<hbm>> -> memref<16384xf32, #tpu.memory_space<hbm>>
      tpu.wait_dma2 semaphore(%run_scoped3A_45 : memref<!tpu.dma_semaphore, #tpu.memory_space<semaphore_mem>>) src(%arg12 : memref<16384xf32, #tpu.memory_space<vmem>>) dst(%dma_wait3A_51 : memref<16384xf32, #tpu.memory_space<hbm>>)
      tpu.yield
    }) : () -> ()
    %run_scoped3A_44 = arith.constant 3 : i32
    "tpu.region"() ({
      %run_scoped3A_45 = tpu.sem_alloc : memref<!tpu.dma_semaphore, #tpu.memory_space<semaphore_mem>>
      %dma_start3A = tpu.memref_slice %arg5[%arg0, %run_scoped3A_44, %mul3A_41] : memref<2x4x262144xf32, #tpu.memory_space<hbm>> -> memref<1x1x16384xf32, #tpu.memory_space<hbm>>
      %dma_start3A_46 = tpu.memref_squeeze %dma_start3A : memref<1x1x16384xf32, #tpu.memory_space<hbm>> -> memref<16384xf32, #tpu.memory_space<hbm>>
      %dma_start3A_47 = tpu.memref_slice %arg5[%arg0, %run_scoped3A_44, %mul3A_41] : memref<2x4x262144xf32, #tpu.memory_space<hbm>> -> memref<1x1x16384xf32, #tpu.memory_space<hbm>>
      %dma_start3A_48 = tpu.memref_squeeze %dma_start3A_47 : memref<1x1x16384xf32, #tpu.memory_space<hbm>> -> memref<16384xf32, #tpu.memory_space<hbm>>
      tpu.enqueue_dma source(%arg13 : memref<16384xf32, #tpu.memory_space<vmem>>) target(%dma_start3A_48 : memref<16384xf32, #tpu.memory_space<hbm>>) target_semaphore(%run_scoped3A_45 : memref<!tpu.dma_semaphore, #tpu.memory_space<semaphore_mem>>)
      %dma_wait3A = tpu.memref_slice %arg5[%arg0, %run_scoped3A_44, %mul3A_41] : memref<2x4x262144xf32, #tpu.memory_space<hbm>> -> memref<1x1x16384xf32, #tpu.memory_space<hbm>>
      %dma_wait3A_49 = tpu.memref_squeeze %dma_wait3A : memref<1x1x16384xf32, #tpu.memory_space<hbm>> -> memref<16384xf32, #tpu.memory_space<hbm>>
      %dma_wait3A_50 = tpu.memref_slice %arg5[%arg0, %run_scoped3A_44, %mul3A_41] : memref<2x4x262144xf32, #tpu.memory_space<hbm>> -> memref<1x1x16384xf32, #tpu.memory_space<hbm>>
      %dma_wait3A_51 = tpu.memref_squeeze %dma_wait3A_50 : memref<1x1x16384xf32, #tpu.memory_space<hbm>> -> memref<16384xf32, #tpu.memory_space<hbm>>
      tpu.wait_dma2 semaphore(%run_scoped3A_45 : memref<!tpu.dma_semaphore, #tpu.memory_space<semaphore_mem>>) src(%arg13 : memref<16384xf32, #tpu.memory_space<vmem>>) dst(%dma_wait3A_51 : memref<16384xf32, #tpu.memory_space<hbm>>)
      tpu.yield
    }) : () -> ()
    return
  }
}

#map = affine_map<(d0, d1) -> (0, 0, 0)>
#map1 = affine_map<(d0, d1) -> (0, 0)>
module attributes {stable_mosaic.version = 14 : i64} {
  func.func @_combine_body(%arg0: i32, %arg1: i32, %arg2: memref<2x4x262144xf32, #tpu.memory_space<hbm>>, %arg3: memref<3x262144xf32, #tpu.memory_space<hbm>>, %arg4: memref<8x512xf32, #tpu.memory_space<vmem>>, %arg5: memref<3x512xf32, #tpu.memory_space<vmem>>) attributes {dimension_semantics = [#tpu.dimension_semantics<core_parallel>, #tpu.dimension_semantics<subcore_parallel>], iteration_bounds = array<i64: 2, 16>, scalar_prefetch = 0 : i64, scratch_operands = 2 : i64, tpu.core_type = #tpu.core_type<sc_vector_subcore>, window_params = [{transform_indices = #map}, {transform_indices = #map1}]} {
    %mul3A = arith.constant 16 : i32
    %mul3A_0 = arith.muli %arg0, %mul3A : i32
    %add3A = arith.addi %mul3A_0, %arg1 : i32
    %scan3A = arith.constant 0 : i32
    %scan3A_1 = arith.constant 0 : i32
    %scan3A_2 = arith.constant 16 : i32
    %scan3A_3 = arith.addi %scan3A_1, %scan3A_2 : i32
    %scan3A_4 = arith.constant 1 : i32
    %scan3A_5 = scf.for %scan3A_7 = %scan3A_1 to %scan3A_3 step %scan3A_4 iter_args(%scan3A_8 = %scan3A) -> (i32)  : i32 {
      %mul3A_9 = arith.constant 8192 : i32
      %mul3A_10 = arith.muli %add3A, %mul3A_9 : i32
      %mul3A_11 = arith.constant 512 : i32
      %mul3A_12 = arith.muli %scan3A_7, %mul3A_11 : i32
      %add3A_13 = arith.addi %mul3A_10, %mul3A_12 : i32
      %run_scoped3A = arith.constant 0 : i32
      %run_scoped3A_14 = arith.constant 0 : i32
      %run_scoped3A_15 = arith.constant 0 : i32
      "tpu.region"() ({
        %run_scoped3A_45 = tpu.sem_alloc : memref<!tpu.dma_semaphore, #tpu.memory_space<semaphore_mem>>
        %dma_start3A = arith.constant 0 : i32
        %dma_start3A_46 = tpu.memref_slice %arg4[%run_scoped3A_15, %dma_start3A] : memref<8x512xf32, #tpu.memory_space<vmem>> -> memref<1x512xf32, #tpu.memory_space<vmem>>
        %dma_start3A_47 = tpu.memref_squeeze %dma_start3A_46 : memref<1x512xf32, #tpu.memory_space<vmem>> -> memref<512xf32, #tpu.memory_space<vmem>>
        %dma_start3A_48 = tpu.memref_slice %arg2[%run_scoped3A, %run_scoped3A_14, %add3A_13] : memref<2x4x262144xf32, #tpu.memory_space<hbm>> -> memref<1x1x512xf32, #tpu.memory_space<hbm>>
        %dma_start3A_49 = tpu.memref_squeeze %dma_start3A_48 : memref<1x1x512xf32, #tpu.memory_space<hbm>> -> memref<512xf32, #tpu.memory_space<hbm>>
        %dma_start3A_50 = arith.constant 0 : i32
        %dma_start3A_51 = tpu.memref_slice %arg4[%run_scoped3A_15, %dma_start3A_50] : memref<8x512xf32, #tpu.memory_space<vmem>> -> memref<1x512xf32, #tpu.memory_space<vmem>>
        %dma_start3A_52 = tpu.memref_squeeze %dma_start3A_51 : memref<1x512xf32, #tpu.memory_space<vmem>> -> memref<512xf32, #tpu.memory_space<vmem>>
        %dma_start3A_53 = tpu.memref_slice %arg2[%run_scoped3A, %run_scoped3A_14, %add3A_13] : memref<2x4x262144xf32, #tpu.memory_space<hbm>> -> memref<1x1x512xf32, #tpu.memory_space<hbm>>
        %dma_start3A_54 = tpu.memref_squeeze %dma_start3A_53 : memref<1x1x512xf32, #tpu.memory_space<hbm>> -> memref<512xf32, #tpu.memory_space<hbm>>
        tpu.enqueue_dma source(%dma_start3A_54 : memref<512xf32, #tpu.memory_space<hbm>>) target(%dma_start3A_52 : memref<512xf32, #tpu.memory_space<vmem>>) target_semaphore(%run_scoped3A_45 : memref<!tpu.dma_semaphore, #tpu.memory_space<semaphore_mem>>)
        %dma_wait3A = arith.constant 0 : i32
        %dma_wait3A_55 = tpu.memref_slice %arg4[%run_scoped3A_15, %dma_wait3A] : memref<8x512xf32, #tpu.memory_space<vmem>> -> memref<1x512xf32, #tpu.memory_space<vmem>>
        %dma_wait3A_56 = tpu.memref_squeeze %dma_wait3A_55 : memref<1x512xf32, #tpu.memory_space<vmem>> -> memref<512xf32, #tpu.memory_space<vmem>>
        %dma_wait3A_57 = tpu.memref_slice %arg2[%run_scoped3A, %run_scoped3A_14, %add3A_13] : memref<2x4x262144xf32, #tpu.memory_space<hbm>> -> memref<1x1x512xf32, #tpu.memory_space<hbm>>
        %dma_wait3A_58 = tpu.memref_squeeze %dma_wait3A_57 : memref<1x1x512xf32, #tpu.memory_space<hbm>> -> memref<512xf32, #tpu.memory_space<hbm>>
        %dma_wait3A_59 = arith.constant 0 : i32
        %dma_wait3A_60 = tpu.memref_slice %arg4[%run_scoped3A_15, %dma_wait3A_59] : memref<8x512xf32, #tpu.memory_space<vmem>> -> memref<1x512xf32, #tpu.memory_space<vmem>>
        %dma_wait3A_61 = tpu.memref_squeeze %dma_wait3A_60 : memref<1x512xf32, #tpu.memory_space<vmem>> -> memref<512xf32, #tpu.memory_space<vmem>>
        %dma_wait3A_62 = tpu.memref_slice %arg2[%run_scoped3A, %run_scoped3A_14, %add3A_13] : memref<2x4x262144xf32, #tpu.memory_space<hbm>> -> memref<1x1x512xf32, #tpu.memory_space<hbm>>
        %dma_wait3A_63 = tpu.memref_squeeze %dma_wait3A_62 : memref<1x1x512xf32, #tpu.memory_space<hbm>> -> memref<512xf32, #tpu.memory_space<hbm>>
        tpu.wait_dma2 semaphore(%run_scoped3A_45 : memref<!tpu.dma_semaphore, #tpu.memory_space<semaphore_mem>>) src(%dma_wait3A_63 : memref<512xf32, #tpu.memory_space<hbm>>) dst(%dma_wait3A_61 : memref<512xf32, #tpu.memory_space<vmem>>)
        tpu.yield
      }) : () -> ()
      %run_scoped3A_16 = arith.constant 0 : i32
      %run_scoped3A_17 = arith.constant 1 : i32
      %run_scoped3A_18 = arith.constant 1 : i32
      "tpu.region"() ({
        %run_scoped3A_45 = tpu.sem_alloc : memref<!tpu.dma_semaphore, #tpu.memory_space<semaphore_mem>>
        %dma_start3A = arith.constant 0 : i32
        %dma_start3A_46 = tpu.memref_slice %arg4[%run_scoped3A_18, %dma_start3A] : memref<8x512xf32, #tpu.memory_space<vmem>> -> memref<1x512xf32, #tpu.memory_space<vmem>>
        %dma_start3A_47 = tpu.memref_squeeze %dma_start3A_46 : memref<1x512xf32, #tpu.memory_space<vmem>> -> memref<512xf32, #tpu.memory_space<vmem>>
        %dma_start3A_48 = tpu.memref_slice %arg2[%run_scoped3A_16, %run_scoped3A_17, %add3A_13] : memref<2x4x262144xf32, #tpu.memory_space<hbm>> -> memref<1x1x512xf32, #tpu.memory_space<hbm>>
        %dma_start3A_49 = tpu.memref_squeeze %dma_start3A_48 : memref<1x1x512xf32, #tpu.memory_space<hbm>> -> memref<512xf32, #tpu.memory_space<hbm>>
        %dma_start3A_50 = arith.constant 0 : i32
        %dma_start3A_51 = tpu.memref_slice %arg4[%run_scoped3A_18, %dma_start3A_50] : memref<8x512xf32, #tpu.memory_space<vmem>> -> memref<1x512xf32, #tpu.memory_space<vmem>>
        %dma_start3A_52 = tpu.memref_squeeze %dma_start3A_51 : memref<1x512xf32, #tpu.memory_space<vmem>> -> memref<512xf32, #tpu.memory_space<vmem>>
        %dma_start3A_53 = tpu.memref_slice %arg2[%run_scoped3A_16, %run_scoped3A_17, %add3A_13] : memref<2x4x262144xf32, #tpu.memory_space<hbm>> -> memref<1x1x512xf32, #tpu.memory_space<hbm>>
        %dma_start3A_54 = tpu.memref_squeeze %dma_start3A_53 : memref<1x1x512xf32, #tpu.memory_space<hbm>> -> memref<512xf32, #tpu.memory_space<hbm>>
        tpu.enqueue_dma source(%dma_start3A_54 : memref<512xf32, #tpu.memory_space<hbm>>) target(%dma_start3A_52 : memref<512xf32, #tpu.memory_space<vmem>>) target_semaphore(%run_scoped3A_45 : memref<!tpu.dma_semaphore, #tpu.memory_space<semaphore_mem>>)
        %dma_wait3A = arith.constant 0 : i32
        %dma_wait3A_55 = tpu.memref_slice %arg4[%run_scoped3A_18, %dma_wait3A] : memref<8x512xf32, #tpu.memory_space<vmem>> -> memref<1x512xf32, #tpu.memory_space<vmem>>
        %dma_wait3A_56 = tpu.memref_squeeze %dma_wait3A_55 : memref<1x512xf32, #tpu.memory_space<vmem>> -> memref<512xf32, #tpu.memory_space<vmem>>
        %dma_wait3A_57 = tpu.memref_slice %arg2[%run_scoped3A_16, %run_scoped3A_17, %add3A_13] : memref<2x4x262144xf32, #tpu.memory_space<hbm>> -> memref<1x1x512xf32, #tpu.memory_space<hbm>>
        %dma_wait3A_58 = tpu.memref_squeeze %dma_wait3A_57 : memref<1x1x512xf32, #tpu.memory_space<hbm>> -> memref<512xf32, #tpu.memory_space<hbm>>
        %dma_wait3A_59 = arith.constant 0 : i32
        %dma_wait3A_60 = tpu.memref_slice %arg4[%run_scoped3A_18, %dma_wait3A_59] : memref<8x512xf32, #tpu.memory_space<vmem>> -> memref<1x512xf32, #tpu.memory_space<vmem>>
        %dma_wait3A_61 = tpu.memref_squeeze %dma_wait3A_60 : memref<1x512xf32, #tpu.memory_space<vmem>> -> memref<512xf32, #tpu.memory_space<vmem>>
        %dma_wait3A_62 = tpu.memref_slice %arg2[%run_scoped3A_16, %run_scoped3A_17, %add3A_13] : memref<2x4x262144xf32, #tpu.memory_space<hbm>> -> memref<1x1x512xf32, #tpu.memory_space<hbm>>
        %dma_wait3A_63 = tpu.memref_squeeze %dma_wait3A_62 : memref<1x1x512xf32, #tpu.memory_space<hbm>> -> memref<512xf32, #tpu.memory_space<hbm>>
        tpu.wait_dma2 semaphore(%run_scoped3A_45 : memref<!tpu.dma_semaphore, #tpu.memory_space<semaphore_mem>>) src(%dma_wait3A_63 : memref<512xf32, #tpu.memory_space<hbm>>) dst(%dma_wait3A_61 : memref<512xf32, #tpu.memory_space<vmem>>)
        tpu.yield
      }) : () -> ()
      %run_scoped3A_19 = arith.constant 0 : i32
      %run_scoped3A_20 = arith.constant 2 : i32
      %run_scoped3A_21 = arith.constant 2 : i32
      "tpu.region"() ({
        %run_scoped3A_45 = tpu.sem_alloc : memref<!tpu.dma_semaphore, #tpu.memory_space<semaphore_mem>>
        %dma_start3A = arith.constant 0 : i32
        %dma_start3A_46 = tpu.memref_slice %arg4[%run_scoped3A_21, %dma_start3A] : memref<8x512xf32, #tpu.memory_space<vmem>> -> memref<1x512xf32, #tpu.memory_space<vmem>>
        %dma_start3A_47 = tpu.memref_squeeze %dma_start3A_46 : memref<1x512xf32, #tpu.memory_space<vmem>> -> memref<512xf32, #tpu.memory_space<vmem>>
        %dma_start3A_48 = tpu.memref_slice %arg2[%run_scoped3A_19, %run_scoped3A_20, %add3A_13] : memref<2x4x262144xf32, #tpu.memory_space<hbm>> -> memref<1x1x512xf32, #tpu.memory_space<hbm>>
        %dma_start3A_49 = tpu.memref_squeeze %dma_start3A_48 : memref<1x1x512xf32, #tpu.memory_space<hbm>> -> memref<512xf32, #tpu.memory_space<hbm>>
        %dma_start3A_50 = arith.constant 0 : i32
        %dma_start3A_51 = tpu.memref_slice %arg4[%run_scoped3A_21, %dma_start3A_50] : memref<8x512xf32, #tpu.memory_space<vmem>> -> memref<1x512xf32, #tpu.memory_space<vmem>>
        %dma_start3A_52 = tpu.memref_squeeze %dma_start3A_51 : memref<1x512xf32, #tpu.memory_space<vmem>> -> memref<512xf32, #tpu.memory_space<vmem>>
        %dma_start3A_53 = tpu.memref_slice %arg2[%run_scoped3A_19, %run_scoped3A_20, %add3A_13] : memref<2x4x262144xf32, #tpu.memory_space<hbm>> -> memref<1x1x512xf32, #tpu.memory_space<hbm>>
        %dma_start3A_54 = tpu.memref_squeeze %dma_start3A_53 : memref<1x1x512xf32, #tpu.memory_space<hbm>> -> memref<512xf32, #tpu.memory_space<hbm>>
        tpu.enqueue_dma source(%dma_start3A_54 : memref<512xf32, #tpu.memory_space<hbm>>) target(%dma_start3A_52 : memref<512xf32, #tpu.memory_space<vmem>>) target_semaphore(%run_scoped3A_45 : memref<!tpu.dma_semaphore, #tpu.memory_space<semaphore_mem>>)
        %dma_wait3A = arith.constant 0 : i32
        %dma_wait3A_55 = tpu.memref_slice %arg4[%run_scoped3A_21, %dma_wait3A] : memref<8x512xf32, #tpu.memory_space<vmem>> -> memref<1x512xf32, #tpu.memory_space<vmem>>
        %dma_wait3A_56 = tpu.memref_squeeze %dma_wait3A_55 : memref<1x512xf32, #tpu.memory_space<vmem>> -> memref<512xf32, #tpu.memory_space<vmem>>
        %dma_wait3A_57 = tpu.memref_slice %arg2[%run_scoped3A_19, %run_scoped3A_20, %add3A_13] : memref<2x4x262144xf32, #tpu.memory_space<hbm>> -> memref<1x1x512xf32, #tpu.memory_space<hbm>>
        %dma_wait3A_58 = tpu.memref_squeeze %dma_wait3A_57 : memref<1x1x512xf32, #tpu.memory_space<hbm>> -> memref<512xf32, #tpu.memory_space<hbm>>
        %dma_wait3A_59 = arith.constant 0 : i32
        %dma_wait3A_60 = tpu.memref_slice %arg4[%run_scoped3A_21, %dma_wait3A_59] : memref<8x512xf32, #tpu.memory_space<vmem>> -> memref<1x512xf32, #tpu.memory_space<vmem>>
        %dma_wait3A_61 = tpu.memref_squeeze %dma_wait3A_60 : memref<1x512xf32, #tpu.memory_space<vmem>> -> memref<512xf32, #tpu.memory_space<vmem>>
        %dma_wait3A_62 = tpu.memref_slice %arg2[%run_scoped3A_19, %run_scoped3A_20, %add3A_13] : memref<2x4x262144xf32, #tpu.memory_space<hbm>> -> memref<1x1x512xf32, #tpu.memory_space<hbm>>
        %dma_wait3A_63 = tpu.memref_squeeze %dma_wait3A_62 : memref<1x1x512xf32, #tpu.memory_space<hbm>> -> memref<512xf32, #tpu.memory_space<hbm>>
        tpu.wait_dma2 semaphore(%run_scoped3A_45 : memref<!tpu.dma_semaphore, #tpu.memory_space<semaphore_mem>>) src(%dma_wait3A_63 : memref<512xf32, #tpu.memory_space<hbm>>) dst(%dma_wait3A_61 : memref<512xf32, #tpu.memory_space<vmem>>)
        tpu.yield
      }) : () -> ()
      %run_scoped3A_22 = arith.constant 0 : i32
      %run_scoped3A_23 = arith.constant 3 : i32
      %run_scoped3A_24 = arith.constant 3 : i32
      "tpu.region"() ({
        %run_scoped3A_45 = tpu.sem_alloc : memref<!tpu.dma_semaphore, #tpu.memory_space<semaphore_mem>>
        %dma_start3A = arith.constant 0 : i32
        %dma_start3A_46 = tpu.memref_slice %arg4[%run_scoped3A_24, %dma_start3A] : memref<8x512xf32, #tpu.memory_space<vmem>> -> memref<1x512xf32, #tpu.memory_space<vmem>>
        %dma_start3A_47 = tpu.memref_squeeze %dma_start3A_46 : memref<1x512xf32, #tpu.memory_space<vmem>> -> memref<512xf32, #tpu.memory_space<vmem>>
        %dma_start3A_48 = tpu.memref_slice %arg2[%run_scoped3A_22, %run_scoped3A_23, %add3A_13] : memref<2x4x262144xf32, #tpu.memory_space<hbm>> -> memref<1x1x512xf32, #tpu.memory_space<hbm>>
        %dma_start3A_49 = tpu.memref_squeeze %dma_start3A_48 : memref<1x1x512xf32, #tpu.memory_space<hbm>> -> memref<512xf32, #tpu.memory_space<hbm>>
        %dma_start3A_50 = arith.constant 0 : i32
        %dma_start3A_51 = tpu.memref_slice %arg4[%run_scoped3A_24, %dma_start3A_50] : memref<8x512xf32, #tpu.memory_space<vmem>> -> memref<1x512xf32, #tpu.memory_space<vmem>>
        %dma_start3A_52 = tpu.memref_squeeze %dma_start3A_51 : memref<1x512xf32, #tpu.memory_space<vmem>> -> memref<512xf32, #tpu.memory_space<vmem>>
        %dma_start3A_53 = tpu.memref_slice %arg2[%run_scoped3A_22, %run_scoped3A_23, %add3A_13] : memref<2x4x262144xf32, #tpu.memory_space<hbm>> -> memref<1x1x512xf32, #tpu.memory_space<hbm>>
        %dma_start3A_54 = tpu.memref_squeeze %dma_start3A_53 : memref<1x1x512xf32, #tpu.memory_space<hbm>> -> memref<512xf32, #tpu.memory_space<hbm>>
        tpu.enqueue_dma source(%dma_start3A_54 : memref<512xf32, #tpu.memory_space<hbm>>) target(%dma_start3A_52 : memref<512xf32, #tpu.memory_space<vmem>>) target_semaphore(%run_scoped3A_45 : memref<!tpu.dma_semaphore, #tpu.memory_space<semaphore_mem>>)
        %dma_wait3A = arith.constant 0 : i32
        %dma_wait3A_55 = tpu.memref_slice %arg4[%run_scoped3A_24, %dma_wait3A] : memref<8x512xf32, #tpu.memory_space<vmem>> -> memref<1x512xf32, #tpu.memory_space<vmem>>
        %dma_wait3A_56 = tpu.memref_squeeze %dma_wait3A_55 : memref<1x512xf32, #tpu.memory_space<vmem>> -> memref<512xf32, #tpu.memory_space<vmem>>
        %dma_wait3A_57 = tpu.memref_slice %arg2[%run_scoped3A_22, %run_scoped3A_23, %add3A_13] : memref<2x4x262144xf32, #tpu.memory_space<hbm>> -> memref<1x1x512xf32, #tpu.memory_space<hbm>>
        %dma_wait3A_58 = tpu.memref_squeeze %dma_wait3A_57 : memref<1x1x512xf32, #tpu.memory_space<hbm>> -> memref<512xf32, #tpu.memory_space<hbm>>
        %dma_wait3A_59 = arith.constant 0 : i32
        %dma_wait3A_60 = tpu.memref_slice %arg4[%run_scoped3A_24, %dma_wait3A_59] : memref<8x512xf32, #tpu.memory_space<vmem>> -> memref<1x512xf32, #tpu.memory_space<vmem>>
        %dma_wait3A_61 = tpu.memref_squeeze %dma_wait3A_60 : memref<1x512xf32, #tpu.memory_space<vmem>> -> memref<512xf32, #tpu.memory_space<vmem>>
        %dma_wait3A_62 = tpu.memref_slice %arg2[%run_scoped3A_22, %run_scoped3A_23, %add3A_13] : memref<2x4x262144xf32, #tpu.memory_space<hbm>> -> memref<1x1x512xf32, #tpu.memory_space<hbm>>
        %dma_wait3A_63 = tpu.memref_squeeze %dma_wait3A_62 : memref<1x1x512xf32, #tpu.memory_space<hbm>> -> memref<512xf32, #tpu.memory_space<hbm>>
        tpu.wait_dma2 semaphore(%run_scoped3A_45 : memref<!tpu.dma_semaphore, #tpu.memory_space<semaphore_mem>>) src(%dma_wait3A_63 : memref<512xf32, #tpu.memory_space<hbm>>) dst(%dma_wait3A_61 : memref<512xf32, #tpu.memory_space<vmem>>)
        tpu.yield
      }) : () -> ()
      %run_scoped3A_25 = arith.constant 1 : i32
      %run_scoped3A_26 = arith.constant 0 : i32
      %run_scoped3A_27 = arith.constant 4 : i32
      "tpu.region"() ({
        %run_scoped3A_45 = tpu.sem_alloc : memref<!tpu.dma_semaphore, #tpu.memory_space<semaphore_mem>>
        %dma_start3A = arith.constant 0 : i32
        %dma_start3A_46 = tpu.memref_slice %arg4[%run_scoped3A_27, %dma_start3A] : memref<8x512xf32, #tpu.memory_space<vmem>> -> memref<1x512xf32, #tpu.memory_space<vmem>>
        %dma_start3A_47 = tpu.memref_squeeze %dma_start3A_46 : memref<1x512xf32, #tpu.memory_space<vmem>> -> memref<512xf32, #tpu.memory_space<vmem>>
        %dma_start3A_48 = tpu.memref_slice %arg2[%run_scoped3A_25, %run_scoped3A_26, %add3A_13] : memref<2x4x262144xf32, #tpu.memory_space<hbm>> -> memref<1x1x512xf32, #tpu.memory_space<hbm>>
        %dma_start3A_49 = tpu.memref_squeeze %dma_start3A_48 : memref<1x1x512xf32, #tpu.memory_space<hbm>> -> memref<512xf32, #tpu.memory_space<hbm>>
        %dma_start3A_50 = arith.constant 0 : i32
        %dma_start3A_51 = tpu.memref_slice %arg4[%run_scoped3A_27, %dma_start3A_50] : memref<8x512xf32, #tpu.memory_space<vmem>> -> memref<1x512xf32, #tpu.memory_space<vmem>>
        %dma_start3A_52 = tpu.memref_squeeze %dma_start3A_51 : memref<1x512xf32, #tpu.memory_space<vmem>> -> memref<512xf32, #tpu.memory_space<vmem>>
        %dma_start3A_53 = tpu.memref_slice %arg2[%run_scoped3A_25, %run_scoped3A_26, %add3A_13] : memref<2x4x262144xf32, #tpu.memory_space<hbm>> -> memref<1x1x512xf32, #tpu.memory_space<hbm>>
        %dma_start3A_54 = tpu.memref_squeeze %dma_start3A_53 : memref<1x1x512xf32, #tpu.memory_space<hbm>> -> memref<512xf32, #tpu.memory_space<hbm>>
        tpu.enqueue_dma source(%dma_start3A_54 : memref<512xf32, #tpu.memory_space<hbm>>) target(%dma_start3A_52 : memref<512xf32, #tpu.memory_space<vmem>>) target_semaphore(%run_scoped3A_45 : memref<!tpu.dma_semaphore, #tpu.memory_space<semaphore_mem>>)
        %dma_wait3A = arith.constant 0 : i32
        %dma_wait3A_55 = tpu.memref_slice %arg4[%run_scoped3A_27, %dma_wait3A] : memref<8x512xf32, #tpu.memory_space<vmem>> -> memref<1x512xf32, #tpu.memory_space<vmem>>
        %dma_wait3A_56 = tpu.memref_squeeze %dma_wait3A_55 : memref<1x512xf32, #tpu.memory_space<vmem>> -> memref<512xf32, #tpu.memory_space<vmem>>
        %dma_wait3A_57 = tpu.memref_slice %arg2[%run_scoped3A_25, %run_scoped3A_26, %add3A_13] : memref<2x4x262144xf32, #tpu.memory_space<hbm>> -> memref<1x1x512xf32, #tpu.memory_space<hbm>>
        %dma_wait3A_58 = tpu.memref_squeeze %dma_wait3A_57 : memref<1x1x512xf32, #tpu.memory_space<hbm>> -> memref<512xf32, #tpu.memory_space<hbm>>
        %dma_wait3A_59 = arith.constant 0 : i32
        %dma_wait3A_60 = tpu.memref_slice %arg4[%run_scoped3A_27, %dma_wait3A_59] : memref<8x512xf32, #tpu.memory_space<vmem>> -> memref<1x512xf32, #tpu.memory_space<vmem>>
        %dma_wait3A_61 = tpu.memref_squeeze %dma_wait3A_60 : memref<1x512xf32, #tpu.memory_space<vmem>> -> memref<512xf32, #tpu.memory_space<vmem>>
        %dma_wait3A_62 = tpu.memref_slice %arg2[%run_scoped3A_25, %run_scoped3A_26, %add3A_13] : memref<2x4x262144xf32, #tpu.memory_space<hbm>> -> memref<1x1x512xf32, #tpu.memory_space<hbm>>
        %dma_wait3A_63 = tpu.memref_squeeze %dma_wait3A_62 : memref<1x1x512xf32, #tpu.memory_space<hbm>> -> memref<512xf32, #tpu.memory_space<hbm>>
        tpu.wait_dma2 semaphore(%run_scoped3A_45 : memref<!tpu.dma_semaphore, #tpu.memory_space<semaphore_mem>>) src(%dma_wait3A_63 : memref<512xf32, #tpu.memory_space<hbm>>) dst(%dma_wait3A_61 : memref<512xf32, #tpu.memory_space<vmem>>)
        tpu.yield
      }) : () -> ()
      %run_scoped3A_28 = arith.constant 1 : i32
      %run_scoped3A_29 = arith.constant 1 : i32
      %run_scoped3A_30 = arith.constant 5 : i32
      "tpu.region"() ({
        %run_scoped3A_45 = tpu.sem_alloc : memref<!tpu.dma_semaphore, #tpu.memory_space<semaphore_mem>>
        %dma_start3A = arith.constant 0 : i32
        %dma_start3A_46 = tpu.memref_slice %arg4[%run_scoped3A_30, %dma_start3A] : memref<8x512xf32, #tpu.memory_space<vmem>> -> memref<1x512xf32, #tpu.memory_space<vmem>>
        %dma_start3A_47 = tpu.memref_squeeze %dma_start3A_46 : memref<1x512xf32, #tpu.memory_space<vmem>> -> memref<512xf32, #tpu.memory_space<vmem>>
        %dma_start3A_48 = tpu.memref_slice %arg2[%run_scoped3A_28, %run_scoped3A_29, %add3A_13] : memref<2x4x262144xf32, #tpu.memory_space<hbm>> -> memref<1x1x512xf32, #tpu.memory_space<hbm>>
        %dma_start3A_49 = tpu.memref_squeeze %dma_start3A_48 : memref<1x1x512xf32, #tpu.memory_space<hbm>> -> memref<512xf32, #tpu.memory_space<hbm>>
        %dma_start3A_50 = arith.constant 0 : i32
        %dma_start3A_51 = tpu.memref_slice %arg4[%run_scoped3A_30, %dma_start3A_50] : memref<8x512xf32, #tpu.memory_space<vmem>> -> memref<1x512xf32, #tpu.memory_space<vmem>>
        %dma_start3A_52 = tpu.memref_squeeze %dma_start3A_51 : memref<1x512xf32, #tpu.memory_space<vmem>> -> memref<512xf32, #tpu.memory_space<vmem>>
        %dma_start3A_53 = tpu.memref_slice %arg2[%run_scoped3A_28, %run_scoped3A_29, %add3A_13] : memref<2x4x262144xf32, #tpu.memory_space<hbm>> -> memref<1x1x512xf32, #tpu.memory_space<hbm>>
        %dma_start3A_54 = tpu.memref_squeeze %dma_start3A_53 : memref<1x1x512xf32, #tpu.memory_space<hbm>> -> memref<512xf32, #tpu.memory_space<hbm>>
        tpu.enqueue_dma source(%dma_start3A_54 : memref<512xf32, #tpu.memory_space<hbm>>) target(%dma_start3A_52 : memref<512xf32, #tpu.memory_space<vmem>>) target_semaphore(%run_scoped3A_45 : memref<!tpu.dma_semaphore, #tpu.memory_space<semaphore_mem>>)
        %dma_wait3A = arith.constant 0 : i32
        %dma_wait3A_55 = tpu.memref_slice %arg4[%run_scoped3A_30, %dma_wait3A] : memref<8x512xf32, #tpu.memory_space<vmem>> -> memref<1x512xf32, #tpu.memory_space<vmem>>
        %dma_wait3A_56 = tpu.memref_squeeze %dma_wait3A_55 : memref<1x512xf32, #tpu.memory_space<vmem>> -> memref<512xf32, #tpu.memory_space<vmem>>
        %dma_wait3A_57 = tpu.memref_slice %arg2[%run_scoped3A_28, %run_scoped3A_29, %add3A_13] : memref<2x4x262144xf32, #tpu.memory_space<hbm>> -> memref<1x1x512xf32, #tpu.memory_space<hbm>>
        %dma_wait3A_58 = tpu.memref_squeeze %dma_wait3A_57 : memref<1x1x512xf32, #tpu.memory_space<hbm>> -> memref<512xf32, #tpu.memory_space<hbm>>
        %dma_wait3A_59 = arith.constant 0 : i32
        %dma_wait3A_60 = tpu.memref_slice %arg4[%run_scoped3A_30, %dma_wait3A_59] : memref<8x512xf32, #tpu.memory_space<vmem>> -> memref<1x512xf32, #tpu.memory_space<vmem>>
        %dma_wait3A_61 = tpu.memref_squeeze %dma_wait3A_60 : memref<1x512xf32, #tpu.memory_space<vmem>> -> memref<512xf32, #tpu.memory_space<vmem>>
        %dma_wait3A_62 = tpu.memref_slice %arg2[%run_scoped3A_28, %run_scoped3A_29, %add3A_13] : memref<2x4x262144xf32, #tpu.memory_space<hbm>> -> memref<1x1x512xf32, #tpu.memory_space<hbm>>
        %dma_wait3A_63 = tpu.memref_squeeze %dma_wait3A_62 : memref<1x1x512xf32, #tpu.memory_space<hbm>> -> memref<512xf32, #tpu.memory_space<hbm>>
        tpu.wait_dma2 semaphore(%run_scoped3A_45 : memref<!tpu.dma_semaphore, #tpu.memory_space<semaphore_mem>>) src(%dma_wait3A_63 : memref<512xf32, #tpu.memory_space<hbm>>) dst(%dma_wait3A_61 : memref<512xf32, #tpu.memory_space<vmem>>)
        tpu.yield
      }) : () -> ()
      %run_scoped3A_31 = arith.constant 1 : i32
      %run_scoped3A_32 = arith.constant 2 : i32
      %run_scoped3A_33 = arith.constant 6 : i32
      "tpu.region"() ({
        %run_scoped3A_45 = tpu.sem_alloc : memref<!tpu.dma_semaphore, #tpu.memory_space<semaphore_mem>>
        %dma_start3A = arith.constant 0 : i32
        %dma_start3A_46 = tpu.memref_slice %arg4[%run_scoped3A_33, %dma_start3A] : memref<8x512xf32, #tpu.memory_space<vmem>> -> memref<1x512xf32, #tpu.memory_space<vmem>>
        %dma_start3A_47 = tpu.memref_squeeze %dma_start3A_46 : memref<1x512xf32, #tpu.memory_space<vmem>> -> memref<512xf32, #tpu.memory_space<vmem>>
        %dma_start3A_48 = tpu.memref_slice %arg2[%run_scoped3A_31, %run_scoped3A_32, %add3A_13] : memref<2x4x262144xf32, #tpu.memory_space<hbm>> -> memref<1x1x512xf32, #tpu.memory_space<hbm>>
        %dma_start3A_49 = tpu.memref_squeeze %dma_start3A_48 : memref<1x1x512xf32, #tpu.memory_space<hbm>> -> memref<512xf32, #tpu.memory_space<hbm>>
        %dma_start3A_50 = arith.constant 0 : i32
        %dma_start3A_51 = tpu.memref_slice %arg4[%run_scoped3A_33, %dma_start3A_50] : memref<8x512xf32, #tpu.memory_space<vmem>> -> memref<1x512xf32, #tpu.memory_space<vmem>>
        %dma_start3A_52 = tpu.memref_squeeze %dma_start3A_51 : memref<1x512xf32, #tpu.memory_space<vmem>> -> memref<512xf32, #tpu.memory_space<vmem>>
        %dma_start3A_53 = tpu.memref_slice %arg2[%run_scoped3A_31, %run_scoped3A_32, %add3A_13] : memref<2x4x262144xf32, #tpu.memory_space<hbm>> -> memref<1x1x512xf32, #tpu.memory_space<hbm>>
        %dma_start3A_54 = tpu.memref_squeeze %dma_start3A_53 : memref<1x1x512xf32, #tpu.memory_space<hbm>> -> memref<512xf32, #tpu.memory_space<hbm>>
        tpu.enqueue_dma source(%dma_start3A_54 : memref<512xf32, #tpu.memory_space<hbm>>) target(%dma_start3A_52 : memref<512xf32, #tpu.memory_space<vmem>>) target_semaphore(%run_scoped3A_45 : memref<!tpu.dma_semaphore, #tpu.memory_space<semaphore_mem>>)
        %dma_wait3A = arith.constant 0 : i32
        %dma_wait3A_55 = tpu.memref_slice %arg4[%run_scoped3A_33, %dma_wait3A] : memref<8x512xf32, #tpu.memory_space<vmem>> -> memref<1x512xf32, #tpu.memory_space<vmem>>
        %dma_wait3A_56 = tpu.memref_squeeze %dma_wait3A_55 : memref<1x512xf32, #tpu.memory_space<vmem>> -> memref<512xf32, #tpu.memory_space<vmem>>
        %dma_wait3A_57 = tpu.memref_slice %arg2[%run_scoped3A_31, %run_scoped3A_32, %add3A_13] : memref<2x4x262144xf32, #tpu.memory_space<hbm>> -> memref<1x1x512xf32, #tpu.memory_space<hbm>>
        %dma_wait3A_58 = tpu.memref_squeeze %dma_wait3A_57 : memref<1x1x512xf32, #tpu.memory_space<hbm>> -> memref<512xf32, #tpu.memory_space<hbm>>
        %dma_wait3A_59 = arith.constant 0 : i32
        %dma_wait3A_60 = tpu.memref_slice %arg4[%run_scoped3A_33, %dma_wait3A_59] : memref<8x512xf32, #tpu.memory_space<vmem>> -> memref<1x512xf32, #tpu.memory_space<vmem>>
        %dma_wait3A_61 = tpu.memref_squeeze %dma_wait3A_60 : memref<1x512xf32, #tpu.memory_space<vmem>> -> memref<512xf32, #tpu.memory_space<vmem>>
        %dma_wait3A_62 = tpu.memref_slice %arg2[%run_scoped3A_31, %run_scoped3A_32, %add3A_13] : memref<2x4x262144xf32, #tpu.memory_space<hbm>> -> memref<1x1x512xf32, #tpu.memory_space<hbm>>
        %dma_wait3A_63 = tpu.memref_squeeze %dma_wait3A_62 : memref<1x1x512xf32, #tpu.memory_space<hbm>> -> memref<512xf32, #tpu.memory_space<hbm>>
        tpu.wait_dma2 semaphore(%run_scoped3A_45 : memref<!tpu.dma_semaphore, #tpu.memory_space<semaphore_mem>>) src(%dma_wait3A_63 : memref<512xf32, #tpu.memory_space<hbm>>) dst(%dma_wait3A_61 : memref<512xf32, #tpu.memory_space<vmem>>)
        tpu.yield
      }) : () -> ()
      %run_scoped3A_34 = arith.constant 1 : i32
      %run_scoped3A_35 = arith.constant 3 : i32
      %run_scoped3A_36 = arith.constant 7 : i32
      "tpu.region"() ({
        %run_scoped3A_45 = tpu.sem_alloc : memref<!tpu.dma_semaphore, #tpu.memory_space<semaphore_mem>>
        %dma_start3A = arith.constant 0 : i32
        %dma_start3A_46 = tpu.memref_slice %arg4[%run_scoped3A_36, %dma_start3A] : memref<8x512xf32, #tpu.memory_space<vmem>> -> memref<1x512xf32, #tpu.memory_space<vmem>>
        %dma_start3A_47 = tpu.memref_squeeze %dma_start3A_46 : memref<1x512xf32, #tpu.memory_space<vmem>> -> memref<512xf32, #tpu.memory_space<vmem>>
        %dma_start3A_48 = tpu.memref_slice %arg2[%run_scoped3A_34, %run_scoped3A_35, %add3A_13] : memref<2x4x262144xf32, #tpu.memory_space<hbm>> -> memref<1x1x512xf32, #tpu.memory_space<hbm>>
        %dma_start3A_49 = tpu.memref_squeeze %dma_start3A_48 : memref<1x1x512xf32, #tpu.memory_space<hbm>> -> memref<512xf32, #tpu.memory_space<hbm>>
        %dma_start3A_50 = arith.constant 0 : i32
        %dma_start3A_51 = tpu.memref_slice %arg4[%run_scoped3A_36, %dma_start3A_50] : memref<8x512xf32, #tpu.memory_space<vmem>> -> memref<1x512xf32, #tpu.memory_space<vmem>>
        %dma_start3A_52 = tpu.memref_squeeze %dma_start3A_51 : memref<1x512xf32, #tpu.memory_space<vmem>> -> memref<512xf32, #tpu.memory_space<vmem>>
        %dma_start3A_53 = tpu.memref_slice %arg2[%run_scoped3A_34, %run_scoped3A_35, %add3A_13] : memref<2x4x262144xf32, #tpu.memory_space<hbm>> -> memref<1x1x512xf32, #tpu.memory_space<hbm>>
        %dma_start3A_54 = tpu.memref_squeeze %dma_start3A_53 : memref<1x1x512xf32, #tpu.memory_space<hbm>> -> memref<512xf32, #tpu.memory_space<hbm>>
        tpu.enqueue_dma source(%dma_start3A_54 : memref<512xf32, #tpu.memory_space<hbm>>) target(%dma_start3A_52 : memref<512xf32, #tpu.memory_space<vmem>>) target_semaphore(%run_scoped3A_45 : memref<!tpu.dma_semaphore, #tpu.memory_space<semaphore_mem>>)
        %dma_wait3A = arith.constant 0 : i32
        %dma_wait3A_55 = tpu.memref_slice %arg4[%run_scoped3A_36, %dma_wait3A] : memref<8x512xf32, #tpu.memory_space<vmem>> -> memref<1x512xf32, #tpu.memory_space<vmem>>
        %dma_wait3A_56 = tpu.memref_squeeze %dma_wait3A_55 : memref<1x512xf32, #tpu.memory_space<vmem>> -> memref<512xf32, #tpu.memory_space<vmem>>
        %dma_wait3A_57 = tpu.memref_slice %arg2[%run_scoped3A_34, %run_scoped3A_35, %add3A_13] : memref<2x4x262144xf32, #tpu.memory_space<hbm>> -> memref<1x1x512xf32, #tpu.memory_space<hbm>>
        %dma_wait3A_58 = tpu.memref_squeeze %dma_wait3A_57 : memref<1x1x512xf32, #tpu.memory_space<hbm>> -> memref<512xf32, #tpu.memory_space<hbm>>
        %dma_wait3A_59 = arith.constant 0 : i32
        %dma_wait3A_60 = tpu.memref_slice %arg4[%run_scoped3A_36, %dma_wait3A_59] : memref<8x512xf32, #tpu.memory_space<vmem>> -> memref<1x512xf32, #tpu.memory_space<vmem>>
        %dma_wait3A_61 = tpu.memref_squeeze %dma_wait3A_60 : memref<1x512xf32, #tpu.memory_space<vmem>> -> memref<512xf32, #tpu.memory_space<vmem>>
        %dma_wait3A_62 = tpu.memref_slice %arg2[%run_scoped3A_34, %run_scoped3A_35, %add3A_13] : memref<2x4x262144xf32, #tpu.memory_space<hbm>> -> memref<1x1x512xf32, #tpu.memory_space<hbm>>
        %dma_wait3A_63 = tpu.memref_squeeze %dma_wait3A_62 : memref<1x1x512xf32, #tpu.memory_space<hbm>> -> memref<512xf32, #tpu.memory_space<hbm>>
        tpu.wait_dma2 semaphore(%run_scoped3A_45 : memref<!tpu.dma_semaphore, #tpu.memory_space<semaphore_mem>>) src(%dma_wait3A_63 : memref<512xf32, #tpu.memory_space<hbm>>) dst(%dma_wait3A_61 : memref<512xf32, #tpu.memory_space<vmem>>)
        tpu.yield
      }) : () -> ()
      %scan3A_37 = arith.constant 0 : i32
      %scan3A_38 = arith.constant 0 : i32
      %scan3A_39 = arith.constant 32 : i32
      %scan3A_40 = arith.addi %scan3A_38, %scan3A_39 : i32
      %scan3A_41 = arith.constant 1 : i32
      %scan3A_42 = scf.for %scan3A_45 = %scan3A_38 to %scan3A_40 step %scan3A_41 iter_args(%scan3A_46 = %scan3A_37) -> (i32)  : i32 {
        %mul3A_47 = arith.constant 16 : i32
        %mul3A_48 = arith.muli %scan3A_45, %mul3A_47 : i32
        %get3A = arith.constant 3 : i32
        %get3A_49 = arith.index_cast %get3A : i32 to index
        %get3A_50 = arith.index_cast %mul3A_48 : i32 to index
        %get3A_51 = tpu.vector_load %arg4[%get3A_49, %get3A_50] {strides = array<i32>} : memref<8x512xf32, #tpu.memory_space<vmem>>, vector<1x16xf32>,
        %get3A_52 = vector.shape_cast %get3A_51 : vector<1x16xf32> to vector<16xf32>
        %get3A_53 = arith.constant 7 : i32
        %get3A_54 = arith.index_cast %get3A_53 : i32 to index
        %get3A_55 = arith.index_cast %mul3A_48 : i32 to index
        %get3A_56 = tpu.vector_load %arg4[%get3A_54, %get3A_55] {strides = array<i32>} : memref<8x512xf32, #tpu.memory_space<vmem>>, vector<1x16xf32>,
        %get3A_57 = vector.shape_cast %get3A_56 : vector<1x16xf32> to vector<16xf32>
        %add3A_58 = arith.addf %get3A_52, %get3A_57 : vector<16xf32>
        %add3A_59 = arith.constant 9.99999993E-9 : f32
        %add3A_60 = vector.broadcast %add3A_59 : f32 to vector<16xf32>
        %add3A_61 = arith.addf %add3A_58, %add3A_60 : vector<16xf32>
        %get3A_62 = arith.constant 0 : i32
        %get3A_63 = arith.index_cast %get3A_62 : i32 to index
        %get3A_64 = arith.index_cast %mul3A_48 : i32 to index
        %get3A_65 = tpu.vector_load %arg4[%get3A_63, %get3A_64] {strides = array<i32>} : memref<8x512xf32, #tpu.memory_space<vmem>>, vector<1x16xf32>,
        %get3A_66 = vector.shape_cast %get3A_65 : vector<1x16xf32> to vector<16xf32>
        %get3A_67 = arith.constant 4 : i32
        %get3A_68 = arith.index_cast %get3A_67 : i32 to index
        %get3A_69 = arith.index_cast %mul3A_48 : i32 to index
        %get3A_70 = tpu.vector_load %arg4[%get3A_68, %get3A_69] {strides = array<i32>} : memref<8x512xf32, #tpu.memory_space<vmem>>, vector<1x16xf32>,
        %get3A_71 = vector.shape_cast %get3A_70 : vector<1x16xf32> to vector<16xf32>
        %add3A_72 = arith.addf %get3A_66, %get3A_71 : vector<16xf32>
        %div3A = arith.divf %add3A_72, %add3A_61 : vector<16xf32>
        %swap3A = arith.constant 0 : i32
        %swap3A_73 = arith.index_cast %swap3A : i32 to index
        %swap3A_74 = arith.index_cast %mul3A_48 : i32 to index
        %swap3A_75 = tpu.vector_load %arg5[%swap3A_73, %swap3A_74] {strides = array<i32>} : memref<3x512xf32, #tpu.memory_space<vmem>>, vector<1x16xf32>,
        %swap3A_76 = vector.shape_cast %swap3A_75 : vector<1x16xf32> to vector<16xf32>
        %swap3A_77 = vector.shape_cast %div3A : vector<16xf32> to vector<1x16xf32>
        tpu.vector_store %arg5[%swap3A_73, %swap3A_74], %swap3A_77 {strides = array<i32>} : memref<3x512xf32, #tpu.memory_space<vmem>>, vector<1x16xf32>,
        %get3A_78 = arith.constant 1 : i32
        %get3A_79 = arith.index_cast %get3A_78 : i32 to index
        %get3A_80 = arith.index_cast %mul3A_48 : i32 to index
        %get3A_81 = tpu.vector_load %arg4[%get3A_79, %get3A_80] {strides = array<i32>} : memref<8x512xf32, #tpu.memory_space<vmem>>, vector<1x16xf32>,
        %get3A_82 = vector.shape_cast %get3A_81 : vector<1x16xf32> to vector<16xf32>
        %get3A_83 = arith.constant 5 : i32
        %get3A_84 = arith.index_cast %get3A_83 : i32 to index
        %get3A_85 = arith.index_cast %mul3A_48 : i32 to index
        %get3A_86 = tpu.vector_load %arg4[%get3A_84, %get3A_85] {strides = array<i32>} : memref<8x512xf32, #tpu.memory_space<vmem>>, vector<1x16xf32>,
        %get3A_87 = vector.shape_cast %get3A_86 : vector<1x16xf32> to vector<16xf32>
        %add3A_88 = arith.addf %get3A_82, %get3A_87 : vector<16xf32>
        %div3A_89 = arith.divf %add3A_88, %add3A_61 : vector<16xf32>
        %swap3A_90 = arith.constant 1 : i32
        %swap3A_91 = arith.index_cast %swap3A_90 : i32 to index
        %swap3A_92 = arith.index_cast %mul3A_48 : i32 to index
        %swap3A_93 = tpu.vector_load %arg5[%swap3A_91, %swap3A_92] {strides = array<i32>} : memref<3x512xf32, #tpu.memory_space<vmem>>, vector<1x16xf32>,
        %swap3A_94 = vector.shape_cast %swap3A_93 : vector<1x16xf32> to vector<16xf32>
        %swap3A_95 = vector.shape_cast %div3A_89 : vector<16xf32> to vector<1x16xf32>
        tpu.vector_store %arg5[%swap3A_91, %swap3A_92], %swap3A_95 {strides = array<i32>} : memref<3x512xf32, #tpu.memory_space<vmem>>, vector<1x16xf32>,
        %get3A_96 = arith.constant 2 : i32
        %get3A_97 = arith.index_cast %get3A_96 : i32 to index
        %get3A_98 = arith.index_cast %mul3A_48 : i32 to index
        %get3A_99 = tpu.vector_load %arg4[%get3A_97, %get3A_98] {strides = array<i32>} : memref<8x512xf32, #tpu.memory_space<vmem>>, vector<1x16xf32>,
        %get3A_100 = vector.shape_cast %get3A_99 : vector<1x16xf32> to vector<16xf32>
        %get3A_101 = arith.constant 6 : i32
        %get3A_102 = arith.index_cast %get3A_101 : i32 to index
        %get3A_103 = arith.index_cast %mul3A_48 : i32 to index
        %get3A_104 = tpu.vector_load %arg4[%get3A_102, %get3A_103] {strides = array<i32>} : memref<8x512xf32, #tpu.memory_space<vmem>>, vector<1x16xf32>,
        %get3A_105 = vector.shape_cast %get3A_104 : vector<1x16xf32> to vector<16xf32>
        %add3A_106 = arith.addf %get3A_100, %get3A_105 : vector<16xf32>
        %div3A_107 = arith.divf %add3A_106, %add3A_61 : vector<16xf32>
        %swap3A_108 = arith.constant 2 : i32
        %swap3A_109 = arith.index_cast %swap3A_108 : i32 to index
        %swap3A_110 = arith.index_cast %mul3A_48 : i32 to index
        %swap3A_111 = tpu.vector_load %arg5[%swap3A_109, %swap3A_110] {strides = array<i32>} : memref<3x512xf32, #tpu.memory_space<vmem>>, vector<1x16xf32>,
        %swap3A_112 = vector.shape_cast %swap3A_111 : vector<1x16xf32> to vector<16xf32>
        %swap3A_113 = vector.shape_cast %div3A_107 : vector<16xf32> to vector<1x16xf32>
        tpu.vector_store %arg5[%swap3A_109, %swap3A_110], %swap3A_113 {strides = array<i32>} : memref<3x512xf32, #tpu.memory_space<vmem>>, vector<1x16xf32>,
        %scan3A_114 = arith.constant 0 : i32
        scf.yield %scan3A_114 : i32
      }
      %scan3A_43 = arith.constant 32 : i32
      "tpu.region"() ({
        %run_scoped3A_45 = tpu.sem_alloc : memref<!tpu.dma_semaphore, #tpu.memory_space<semaphore_mem>>
        %dma_start3A = arith.constant 0 : i32
        %dma_start3A_46 = tpu.memref_slice %arg3[%dma_start3A, %add3A_13] : memref<3x262144xf32, #tpu.memory_space<hbm>> -> memref<3x512xf32, #tpu.memory_space<hbm>>
        %dma_start3A_47 = arith.constant 0 : i32
        %dma_start3A_48 = tpu.memref_slice %arg3[%dma_start3A_47, %add3A_13] : memref<3x262144xf32, #tpu.memory_space<hbm>> -> memref<3x512xf32, #tpu.memory_space<hbm>>
        tpu.enqueue_dma source(%arg5 : memref<3x512xf32, #tpu.memory_space<vmem>>) target(%dma_start3A_48 : memref<3x512xf32, #tpu.memory_space<hbm>>) target_semaphore(%run_scoped3A_45 : memref<!tpu.dma_semaphore, #tpu.memory_space<semaphore_mem>>)
        %dma_wait3A = arith.constant 0 : i32
        %dma_wait3A_49 = tpu.memref_slice %arg3[%dma_wait3A, %add3A_13] : memref<3x262144xf32, #tpu.memory_space<hbm>> -> memref<3x512xf32, #tpu.memory_space<hbm>>
        %dma_wait3A_50 = arith.constant 0 : i32
        %dma_wait3A_51 = tpu.memref_slice %arg3[%dma_wait3A_50, %add3A_13] : memref<3x262144xf32, #tpu.memory_space<hbm>> -> memref<3x512xf32, #tpu.memory_space<hbm>>
        tpu.wait_dma2 semaphore(%run_scoped3A_45 : memref<!tpu.dma_semaphore, #tpu.memory_space<semaphore_mem>>) src(%arg5 : memref<3x512xf32, #tpu.memory_space<vmem>>) dst(%dma_wait3A_51 : memref<3x512xf32, #tpu.memory_space<hbm>>)
        tpu.yield
      }) : () -> ()
      %scan3A_44 = arith.constant 0 : i32
      scf.yield %scan3A_44 : i32
    }
    %scan3A_6 = arith.constant 16 : i32
    return
  }
}

module attributes {stable_mosaic.version = 14 : i64} {
  func.func @_project_body(%arg0: i32, %arg1: memref<3x4096xf32, #tpu.memory_space<vmem>>, %arg2: memref<6x4096xf32, #tpu.memory_space<vmem>>, %arg3: memref<3x4096xf32, #tpu.memory_space<vmem>>, %arg4: memref<1x4096xf32, #tpu.memory_space<vmem>>, %arg5: memref<4x4xf32, #tpu.memory_space<smem>>, %arg6: memref<3x3xf32, #tpu.memory_space<smem>>, %arg7: memref<12x4096xf32, #tpu.memory_space<vmem>>) attributes {dimension_semantics = [#tpu.dimension_semantics<arbitrary>], iteration_bounds = array<i64: 124>, scalar_prefetch = 0 : i64, scratch_operands = 0 : i64, tpu.core_type = #tpu.core_type<tc>, window_params = [{transform_indices = @transform_0, window_bounds = array<i64: 3, 4096>}, {transform_indices = @transform_1, window_bounds = array<i64: 6, 4096>}, {transform_indices = @transform_2, window_bounds = array<i64: 3, 4096>}, {transform_indices = @transform_3, window_bounds = array<i64: 1, 4096>}, {transform_indices = @transform_4, window_bounds = array<i64: 4, 4>}, {transform_indices = @transform_5, window_bounds = array<i64: 3, 3>}, {transform_indices = @transform_6, window_bounds = array<i64: 12, 4096>}]} {
    %get3A = arith.constant 0 : index
    %get3A_0 = arith.constant 0 : index
    %get3A_1 = vector.load %arg1[%get3A, %get3A_0] : memref<3x4096xf32, #tpu.memory_space<vmem>>, vector<1x4096xf32>
    %get3A_2 = vector.shape_cast %get3A_1 : vector<1x4096xf32> to vector<4096xf32>
    %get3A_3 = arith.constant 1 : index
    %get3A_4 = arith.constant 0 : index
    %get3A_5 = vector.load %arg1[%get3A_3, %get3A_4] : memref<3x4096xf32, #tpu.memory_space<vmem>>, vector<1x4096xf32>
    %get3A_6 = vector.shape_cast %get3A_5 : vector<1x4096xf32> to vector<4096xf32>
    %get3A_7 = arith.constant 2 : index
    %get3A_8 = arith.constant 0 : index
    %get3A_9 = vector.load %arg1[%get3A_7, %get3A_8] : memref<3x4096xf32, #tpu.memory_space<vmem>>, vector<1x4096xf32>
    %get3A_10 = vector.shape_cast %get3A_9 : vector<1x4096xf32> to vector<4096xf32>
    %get3A_11 = arith.constant 0 : index
    %get3A_12 = arith.constant 0 : index
    %get3A_13 = memref.load %arg5[%get3A_11, %get3A_12] : memref<4x4xf32, #tpu.memory_space<smem>>
    %get3A_14 = arith.constant 0 : index
    %get3A_15 = arith.constant 1 : index
    %get3A_16 = memref.load %arg5[%get3A_14, %get3A_15] : memref<4x4xf32, #tpu.memory_space<smem>>
    %get3A_17 = arith.constant 0 : index
    %get3A_18 = arith.constant 2 : index
    %get3A_19 = memref.load %arg5[%get3A_17, %get3A_18] : memref<4x4xf32, #tpu.memory_space<smem>>
    %get3A_20 = arith.constant 0 : index
    %get3A_21 = arith.constant 3 : index
    %get3A_22 = memref.load %arg5[%get3A_20, %get3A_21] : memref<4x4xf32, #tpu.memory_space<smem>>
    %get3A_23 = arith.constant 1 : index
    %get3A_24 = arith.constant 0 : index
    %get3A_25 = memref.load %arg5[%get3A_23, %get3A_24] : memref<4x4xf32, #tpu.memory_space<smem>>
    %get3A_26 = arith.constant 1 : index
    %get3A_27 = arith.constant 1 : index
    %get3A_28 = memref.load %arg5[%get3A_26, %get3A_27] : memref<4x4xf32, #tpu.memory_space<smem>>
    %get3A_29 = arith.constant 1 : index
    %get3A_30 = arith.constant 2 : index
    %get3A_31 = memref.load %arg5[%get3A_29, %get3A_30] : memref<4x4xf32, #tpu.memory_space<smem>>
    %get3A_32 = arith.constant 1 : index
    %get3A_33 = arith.constant 3 : index
    %get3A_34 = memref.load %arg5[%get3A_32, %get3A_33] : memref<4x4xf32, #tpu.memory_space<smem>>
    %get3A_35 = arith.constant 2 : index
    %get3A_36 = arith.constant 0 : index
    %get3A_37 = memref.load %arg5[%get3A_35, %get3A_36] : memref<4x4xf32, #tpu.memory_space<smem>>
    %get3A_38 = arith.constant 2 : index
    %get3A_39 = arith.constant 1 : index
    %get3A_40 = memref.load %arg5[%get3A_38, %get3A_39] : memref<4x4xf32, #tpu.memory_space<smem>>
    %get3A_41 = arith.constant 2 : index
    %get3A_42 = arith.constant 2 : index
    %get3A_43 = memref.load %arg5[%get3A_41, %get3A_42] : memref<4x4xf32, #tpu.memory_space<smem>>
    %get3A_44 = arith.constant 2 : index
    %get3A_45 = arith.constant 3 : index
    %get3A_46 = memref.load %arg5[%get3A_44, %get3A_45] : memref<4x4xf32, #tpu.memory_space<smem>>
    %get3A_47 = arith.constant 0 : index
    %get3A_48 = arith.constant 0 : index
    %get3A_49 = memref.load %arg6[%get3A_47, %get3A_48] : memref<3x3xf32, #tpu.memory_space<smem>>
    %get3A_50 = arith.constant 0 : index
    %get3A_51 = arith.constant 2 : index
    %get3A_52 = memref.load %arg6[%get3A_50, %get3A_51] : memref<3x3xf32, #tpu.memory_space<smem>>
    %get3A_53 = arith.constant 1 : index
    %get3A_54 = arith.constant 1 : index
    %get3A_55 = memref.load %arg6[%get3A_53, %get3A_54] : memref<3x3xf32, #tpu.memory_space<smem>>
    %get3A_56 = arith.constant 1 : index
    %get3A_57 = arith.constant 2 : index
    %get3A_58 = memref.load %arg6[%get3A_56, %get3A_57] : memref<3x3xf32, #tpu.memory_space<smem>>
    %mul3A = vector.broadcast %get3A_13 : f32 to vector<4096xf32>
    %mul3A_59 = arith.mulf %mul3A, %get3A_2 : vector<4096xf32>
    %mul3A_60 = vector.broadcast %get3A_16 : f32 to vector<4096xf32>
    %mul3A_61 = arith.mulf %mul3A_60, %get3A_6 : vector<4096xf32>
    %add3A = arith.addf %mul3A_59, %mul3A_61 : vector<4096xf32>
    %mul3A_62 = vector.broadcast %get3A_19 : f32 to vector<4096xf32>
    %mul3A_63 = arith.mulf %mul3A_62, %get3A_10 : vector<4096xf32>
    %add3A_64 = arith.addf %add3A, %mul3A_63 : vector<4096xf32>
    %add3A_65 = vector.broadcast %get3A_22 : f32 to vector<4096xf32>
    %add3A_66 = arith.addf %add3A_64, %add3A_65 : vector<4096xf32>
    %mul3A_67 = vector.broadcast %get3A_25 : f32 to vector<4096xf32>
    %mul3A_68 = arith.mulf %mul3A_67, %get3A_2 : vector<4096xf32>
    %mul3A_69 = vector.broadcast %get3A_28 : f32 to vector<4096xf32>
    %mul3A_70 = arith.mulf %mul3A_69, %get3A_6 : vector<4096xf32>
    %add3A_71 = arith.addf %mul3A_68, %mul3A_70 : vector<4096xf32>
    %mul3A_72 = vector.broadcast %get3A_31 : f32 to vector<4096xf32>
    %mul3A_73 = arith.mulf %mul3A_72, %get3A_10 : vector<4096xf32>
    %add3A_74 = arith.addf %add3A_71, %mul3A_73 : vector<4096xf32>
    %add3A_75 = vector.broadcast %get3A_34 : f32 to vector<4096xf32>
    %add3A_76 = arith.addf %add3A_74, %add3A_75 : vector<4096xf32>
    %mul3A_77 = vector.broadcast %get3A_37 : f32 to vector<4096xf32>
    %mul3A_78 = arith.mulf %mul3A_77, %get3A_2 : vector<4096xf32>
    %mul3A_79 = vector.broadcast %get3A_40 : f32 to vector<4096xf32>
    %mul3A_80 = arith.mulf %mul3A_79, %get3A_6 : vector<4096xf32>
    %add3A_81 = arith.addf %mul3A_78, %mul3A_80 : vector<4096xf32>
    %mul3A_82 = vector.broadcast %get3A_43 : f32 to vector<4096xf32>
    %mul3A_83 = arith.mulf %mul3A_82, %get3A_10 : vector<4096xf32>
    %add3A_84 = arith.addf %add3A_81, %mul3A_83 : vector<4096xf32>
    %add3A_85 = vector.broadcast %get3A_46 : f32 to vector<4096xf32>
    %add3A_86 = arith.addf %add3A_84, %add3A_85 : vector<4096xf32>
    %max3A = arith.constant 1.000000e-03 : f32
    %max3A_87 = vector.broadcast %max3A : f32 to vector<4096xf32>
    %max3A_88 = arith.maximumf %add3A_86, %max3A_87 : vector<4096xf32>
    %mul3A_89 = vector.broadcast %get3A_49 : f32 to vector<4096xf32>
    %mul3A_90 = arith.mulf %mul3A_89, %add3A_66 : vector<4096xf32>
    %div3A = arith.divf %mul3A_90, %max3A_88 : vector<4096xf32>
    %add3A_91 = vector.broadcast %get3A_52 : f32 to vector<4096xf32>
    %add3A_92 = arith.addf %div3A, %add3A_91 : vector<4096xf32>
    %mul3A_93 = vector.broadcast %get3A_55 : f32 to vector<4096xf32>
    %mul3A_94 = arith.mulf %mul3A_93, %add3A_76 : vector<4096xf32>
    %div3A_95 = arith.divf %mul3A_94, %max3A_88 : vector<4096xf32>
    %add3A_96 = vector.broadcast %get3A_58 : f32 to vector<4096xf32>
    %add3A_97 = arith.addf %div3A_95, %add3A_96 : vector<4096xf32>
    %div3A_98 = vector.broadcast %get3A_49 : f32 to vector<4096xf32>
    %div3A_99 = arith.divf %div3A_98, %max3A_88 : vector<4096xf32>
    %neg3A = arith.constant 0.000000e+00 : f32
    %neg3A_100 = arith.subf %neg3A, %get3A_49 : f32
    %mul3A_101 = vector.broadcast %neg3A_100 : f32 to vector<4096xf32>
    %mul3A_102 = arith.mulf %mul3A_101, %add3A_66 : vector<4096xf32>
    %mul3A_103 = arith.mulf %max3A_88, %max3A_88 : vector<4096xf32>
    %div3A_104 = arith.divf %mul3A_102, %mul3A_103 : vector<4096xf32>
    %div3A_105 = vector.broadcast %get3A_55 : f32 to vector<4096xf32>
    %div3A_106 = arith.divf %div3A_105, %max3A_88 : vector<4096xf32>
    %neg3A_107 = arith.constant 0.000000e+00 : f32
    %neg3A_108 = arith.subf %neg3A_107, %get3A_55 : f32
    %mul3A_109 = vector.broadcast %neg3A_108 : f32 to vector<4096xf32>
    %mul3A_110 = arith.mulf %mul3A_109, %add3A_76 : vector<4096xf32>
    %mul3A_111 = arith.mulf %max3A_88, %max3A_88 : vector<4096xf32>
    %div3A_112 = arith.divf %mul3A_110, %mul3A_111 : vector<4096xf32>
    %mul3A_113 = vector.broadcast %get3A_13 : f32 to vector<4096xf32>
    %mul3A_114 = arith.mulf %div3A_99, %mul3A_113 : vector<4096xf32>
    %mul3A_115 = vector.broadcast %get3A_37 : f32 to vector<4096xf32>
    %mul3A_116 = arith.mulf %div3A_104, %mul3A_115 : vector<4096xf32>
    %add3A_117 = arith.addf %mul3A_114, %mul3A_116 : vector<4096xf32>
    %mul3A_118 = vector.broadcast %get3A_16 : f32 to vector<4096xf32>
    %mul3A_119 = arith.mulf %div3A_99, %mul3A_118 : vector<4096xf32>
    %mul3A_120 = vector.broadcast %get3A_40 : f32 to vector<4096xf32>
    %mul3A_121 = arith.mulf %div3A_104, %mul3A_120 : vector<4096xf32>
    %add3A_122 = arith.addf %mul3A_119, %mul3A_121 : vector<4096xf32>
    %mul3A_123 = vector.broadcast %get3A_19 : f32 to vector<4096xf32>
    %mul3A_124 = arith.mulf %div3A_99, %mul3A_123 : vector<4096xf32>
    %mul3A_125 = vector.broadcast %get3A_43 : f32 to vector<4096xf32>
    %mul3A_126 = arith.mulf %div3A_104, %mul3A_125 : vector<4096xf32>
    %add3A_127 = arith.addf %mul3A_124, %mul3A_126 : vector<4096xf32>
    %mul3A_128 = vector.broadcast %get3A_25 : f32 to vector<4096xf32>
    %mul3A_129 = arith.mulf %div3A_106, %mul3A_128 : vector<4096xf32>
    %mul3A_130 = vector.broadcast %get3A_37 : f32 to vector<4096xf32>
    %mul3A_131 = arith.mulf %div3A_112, %mul3A_130 : vector<4096xf32>
    %add3A_132 = arith.addf %mul3A_129, %mul3A_131 : vector<4096xf32>
    %mul3A_133 = vector.broadcast %get3A_28 : f32 to vector<4096xf32>
    %mul3A_134 = arith.mulf %div3A_106, %mul3A_133 : vector<4096xf32>
    %mul3A_135 = vector.broadcast %get3A_40 : f32 to vector<4096xf32>
    %mul3A_136 = arith.mulf %div3A_112, %mul3A_135 : vector<4096xf32>
    %add3A_137 = arith.addf %mul3A_134, %mul3A_136 : vector<4096xf32>
    %mul3A_138 = vector.broadcast %get3A_31 : f32 to vector<4096xf32>
    %mul3A_139 = arith.mulf %div3A_106, %mul3A_138 : vector<4096xf32>
    %mul3A_140 = vector.broadcast %get3A_43 : f32 to vector<4096xf32>
    %mul3A_141 = arith.mulf %div3A_112, %mul3A_140 : vector<4096xf32>
    %add3A_142 = arith.addf %mul3A_139, %mul3A_141 : vector<4096xf32>
    %get3A_143 = arith.constant 0 : index
    %get3A_144 = arith.constant 0 : index
    %get3A_145 = vector.load %arg2[%get3A_143, %get3A_144] : memref<6x4096xf32, #tpu.memory_space<vmem>>, vector<1x4096xf32>
    %get3A_146 = vector.shape_cast %get3A_145 : vector<1x4096xf32> to vector<4096xf32>
    %get3A_147 = arith.constant 1 : index
    %get3A_148 = arith.constant 0 : index
    %get3A_149 = vector.load %arg2[%get3A_147, %get3A_148] : memref<6x4096xf32, #tpu.memory_space<vmem>>, vector<1x4096xf32>
    %get3A_150 = vector.shape_cast %get3A_149 : vector<1x4096xf32> to vector<4096xf32>
    %get3A_151 = arith.constant 2 : index
    %get3A_152 = arith.constant 0 : index
    %get3A_153 = vector.load %arg2[%get3A_151, %get3A_152] : memref<6x4096xf32, #tpu.memory_space<vmem>>, vector<1x4096xf32>
    %get3A_154 = vector.shape_cast %get3A_153 : vector<1x4096xf32> to vector<4096xf32>
    %get3A_155 = arith.constant 3 : index
    %get3A_156 = arith.constant 0 : index
    %get3A_157 = vector.load %arg2[%get3A_155, %get3A_156] : memref<6x4096xf32, #tpu.memory_space<vmem>>, vector<1x4096xf32>
    %get3A_158 = vector.shape_cast %get3A_157 : vector<1x4096xf32> to vector<4096xf32>
    %get3A_159 = arith.constant 4 : index
    %get3A_160 = arith.constant 0 : index
    %get3A_161 = vector.load %arg2[%get3A_159, %get3A_160] : memref<6x4096xf32, #tpu.memory_space<vmem>>, vector<1x4096xf32>
    %get3A_162 = vector.shape_cast %get3A_161 : vector<1x4096xf32> to vector<4096xf32>
    %get3A_163 = arith.constant 5 : index
    %get3A_164 = arith.constant 0 : index
    %get3A_165 = vector.load %arg2[%get3A_163, %get3A_164] : memref<6x4096xf32, #tpu.memory_space<vmem>>, vector<1x4096xf32>
    %get3A_166 = vector.shape_cast %get3A_165 : vector<1x4096xf32> to vector<4096xf32>
    %mul3A_167 = arith.mulf %add3A_117, %get3A_146 : vector<4096xf32>
    %mul3A_168 = arith.mulf %add3A_122, %get3A_150 : vector<4096xf32>
    %add3A_169 = arith.addf %mul3A_167, %mul3A_168 : vector<4096xf32>
    %mul3A_170 = arith.mulf %add3A_127, %get3A_154 : vector<4096xf32>
    %add3A_171 = arith.addf %add3A_169, %mul3A_170 : vector<4096xf32>
    %mul3A_172 = arith.mulf %add3A_117, %get3A_150 : vector<4096xf32>
    %mul3A_173 = arith.mulf %add3A_122, %get3A_158 : vector<4096xf32>
    %add3A_174 = arith.addf %mul3A_172, %mul3A_173 : vector<4096xf32>
    %mul3A_175 = arith.mulf %add3A_127, %get3A_162 : vector<4096xf32>
    %add3A_176 = arith.addf %add3A_174, %mul3A_175 : vector<4096xf32>
    %mul3A_177 = arith.mulf %add3A_117, %get3A_154 : vector<4096xf32>
    %mul3A_178 = arith.mulf %add3A_122, %get3A_162 : vector<4096xf32>
    %add3A_179 = arith.addf %mul3A_177, %mul3A_178 : vector<4096xf32>
    %mul3A_180 = arith.mulf %add3A_127, %get3A_166 : vector<4096xf32>
    %add3A_181 = arith.addf %add3A_179, %mul3A_180 : vector<4096xf32>
    %mul3A_182 = arith.mulf %add3A_132, %get3A_146 : vector<4096xf32>
    %mul3A_183 = arith.mulf %add3A_137, %get3A_150 : vector<4096xf32>
    %add3A_184 = arith.addf %mul3A_182, %mul3A_183 : vector<4096xf32>
    %mul3A_185 = arith.mulf %add3A_142, %get3A_154 : vector<4096xf32>
    %add3A_186 = arith.addf %add3A_184, %mul3A_185 : vector<4096xf32>
    %mul3A_187 = arith.mulf %add3A_132, %get3A_150 : vector<4096xf32>
    %mul3A_188 = arith.mulf %add3A_137, %get3A_158 : vector<4096xf32>
    %add3A_189 = arith.addf %mul3A_187, %mul3A_188 : vector<4096xf32>
    %mul3A_190 = arith.mulf %add3A_142, %get3A_162 : vector<4096xf32>
    %add3A_191 = arith.addf %add3A_189, %mul3A_190 : vector<4096xf32>
    %mul3A_192 = arith.mulf %add3A_132, %get3A_154 : vector<4096xf32>
    %mul3A_193 = arith.mulf %add3A_137, %get3A_162 : vector<4096xf32>
    %add3A_194 = arith.addf %mul3A_192, %mul3A_193 : vector<4096xf32>
    %mul3A_195 = arith.mulf %add3A_142, %get3A_166 : vector<4096xf32>
    %add3A_196 = arith.addf %add3A_194, %mul3A_195 : vector<4096xf32>
    %mul3A_197 = arith.mulf %add3A_171, %add3A_117 : vector<4096xf32>
    %mul3A_198 = arith.mulf %add3A_176, %add3A_122 : vector<4096xf32>
    %add3A_199 = arith.addf %mul3A_197, %mul3A_198 : vector<4096xf32>
    %mul3A_200 = arith.mulf %add3A_181, %add3A_127 : vector<4096xf32>
    %add3A_201 = arith.addf %add3A_199, %mul3A_200 : vector<4096xf32>
    %add3A_202 = arith.constant 0.00999999977 : f32
    %add3A_203 = vector.broadcast %add3A_202 : f32 to vector<4096xf32>
    %add3A_204 = arith.addf %add3A_201, %add3A_203 : vector<4096xf32>
    %mul3A_205 = arith.mulf %add3A_171, %add3A_132 : vector<4096xf32>
    %mul3A_206 = arith.mulf %add3A_176, %add3A_137 : vector<4096xf32>
    %add3A_207 = arith.addf %mul3A_205, %mul3A_206 : vector<4096xf32>
    %mul3A_208 = arith.mulf %add3A_181, %add3A_142 : vector<4096xf32>
    %add3A_209 = arith.addf %add3A_207, %mul3A_208 : vector<4096xf32>
    %mul3A_210 = arith.mulf %add3A_186, %add3A_132 : vector<4096xf32>
    %mul3A_211 = arith.mulf %add3A_191, %add3A_137 : vector<4096xf32>
    %add3A_212 = arith.addf %mul3A_210, %mul3A_211 : vector<4096xf32>
    %mul3A_213 = arith.mulf %add3A_196, %add3A_142 : vector<4096xf32>
    %add3A_214 = arith.addf %add3A_212, %mul3A_213 : vector<4096xf32>
    %add3A_215 = arith.constant 0.00999999977 : f32
    %add3A_216 = vector.broadcast %add3A_215 : f32 to vector<4096xf32>
    %add3A_217 = arith.addf %add3A_214, %add3A_216 : vector<4096xf32>
    %mul3A_218 = arith.mulf %add3A_204, %add3A_217 : vector<4096xf32>
    %mul3A_219 = arith.mulf %add3A_209, %add3A_209 : vector<4096xf32>
    %sub3A = arith.subf %mul3A_218, %mul3A_219 : vector<4096xf32>
    %div3A_220 = arith.divf %add3A_217, %sub3A : vector<4096xf32>
    %neg3A_221 = arith.constant 0.000000e+00 : f32
    %neg3A_222 = vector.broadcast %neg3A_221 : f32 to vector<4096xf32>
    %neg3A_223 = arith.subf %neg3A_222, %add3A_209 : vector<4096xf32>
    %div3A_224 = arith.divf %neg3A_223, %sub3A : vector<4096xf32>
    %div3A_225 = arith.divf %add3A_204, %sub3A : vector<4096xf32>
    %round3A = math.roundeven %add3A_92 : vector<4096xf32>
    %round3A_226 = math.roundeven %add3A_97 : vector<4096xf32>
    %get3A_227 = arith.constant 0 : index
    %get3A_228 = arith.constant 0 : index
    %get3A_229 = vector.load %arg4[%get3A_227, %get3A_228] : memref<1x4096xf32, #tpu.memory_space<vmem>>, vector<1x4096xf32>
    %get3A_230 = vector.shape_cast %get3A_229 : vector<1x4096xf32> to vector<4096xf32>
    %logistic3A = arith.negf %get3A_230 : vector<4096xf32>
    %logistic3A_231 = math.exp %logistic3A : vector<4096xf32>
    %logistic3A_232 = arith.constant 1.000000e+00 : f32
    %logistic3A_233 = vector.broadcast %logistic3A_232 : f32 to vector<4096xf32>
    %logistic3A_234 = arith.addf %logistic3A_233, %logistic3A_231 : vector<4096xf32>
    %logistic3A_235 = arith.divf %logistic3A_233, %logistic3A_234 : vector<4096xf32>
    %gt3A = arith.constant 1.000000e-01 : f32
    %gt3A_236 = vector.broadcast %gt3A : f32 to vector<4096xf32>
    %gt3A_237 = arith.cmpf ogt, %add3A_86, %gt3A_236 : vector<4096xf32>
    %jit3A = arith.constant 0.000000e+00 : f32
    %broadcast_in_dim3A = vector.broadcast %jit3A : f32 to vector<4096xf32>
    %select_n3A = arith.select %gt3A_237, %logistic3A_235, %broadcast_in_dim3A : vector<4096xi1>, vector<4096xf32>
    %swap3A = arith.constant 0 : index
    %swap3A_238 = arith.constant 0 : index
    %swap3A_239 = vector.load %arg7[%swap3A, %swap3A_238] : memref<12x4096xf32, #tpu.memory_space<vmem>>, vector<1x4096xf32>
    %swap3A_240 = vector.shape_cast %swap3A_239 : vector<1x4096xf32> to vector<4096xf32>
    %swap3A_241 = vector.shape_cast %add3A_92 : vector<4096xf32> to vector<1x4096xf32>
    tpu.vector_store %arg7[%swap3A, %swap3A_238], %swap3A_241 {strides = array<i32>} : memref<12x4096xf32, #tpu.memory_space<vmem>>, vector<1x4096xf32>,
    %swap3A_242 = arith.constant 1 : index
    %swap3A_243 = arith.constant 0 : index
    %swap3A_244 = vector.load %arg7[%swap3A_242, %swap3A_243] : memref<12x4096xf32, #tpu.memory_space<vmem>>, vector<1x4096xf32>
    %swap3A_245 = vector.shape_cast %swap3A_244 : vector<1x4096xf32> to vector<4096xf32>
    %swap3A_246 = vector.shape_cast %add3A_97 : vector<4096xf32> to vector<1x4096xf32>
    tpu.vector_store %arg7[%swap3A_242, %swap3A_243], %swap3A_246 {strides = array<i32>} : memref<12x4096xf32, #tpu.memory_space<vmem>>, vector<1x4096xf32>,
    %swap3A_247 = arith.constant 2 : index
    %swap3A_248 = arith.constant 0 : index
    %swap3A_249 = vector.load %arg7[%swap3A_247, %swap3A_248] : memref<12x4096xf32, #tpu.memory_space<vmem>>, vector<1x4096xf32>
    %swap3A_250 = vector.shape_cast %swap3A_249 : vector<1x4096xf32> to vector<4096xf32>
    %swap3A_251 = vector.shape_cast %round3A : vector<4096xf32> to vector<1x4096xf32>
    tpu.vector_store %arg7[%swap3A_247, %swap3A_248], %swap3A_251 {strides = array<i32>} : memref<12x4096xf32, #tpu.memory_space<vmem>>, vector<1x4096xf32>,
    %swap3A_252 = arith.constant 3 : index
    %swap3A_253 = arith.constant 0 : index
    %swap3A_254 = vector.load %arg7[%swap3A_252, %swap3A_253] : memref<12x4096xf32, #tpu.memory_space<vmem>>, vector<1x4096xf32>
    %swap3A_255 = vector.shape_cast %swap3A_254 : vector<1x4096xf32> to vector<4096xf32>
    %swap3A_256 = vector.shape_cast %round3A_226 : vector<4096xf32> to vector<1x4096xf32>
    tpu.vector_store %arg7[%swap3A_252, %swap3A_253], %swap3A_256 {strides = array<i32>} : memref<12x4096xf32, #tpu.memory_space<vmem>>, vector<1x4096xf32>,
    %swap3A_257 = arith.constant 4 : index
    %swap3A_258 = arith.constant 0 : index
    %swap3A_259 = vector.load %arg7[%swap3A_257, %swap3A_258] : memref<12x4096xf32, #tpu.memory_space<vmem>>, vector<1x4096xf32>
    %swap3A_260 = vector.shape_cast %swap3A_259 : vector<1x4096xf32> to vector<4096xf32>
    %swap3A_261 = vector.shape_cast %div3A_220 : vector<4096xf32> to vector<1x4096xf32>
    tpu.vector_store %arg7[%swap3A_257, %swap3A_258], %swap3A_261 {strides = array<i32>} : memref<12x4096xf32, #tpu.memory_space<vmem>>, vector<1x4096xf32>,
    %swap3A_262 = arith.constant 5 : index
    %swap3A_263 = arith.constant 0 : index
    %swap3A_264 = vector.load %arg7[%swap3A_262, %swap3A_263] : memref<12x4096xf32, #tpu.memory_space<vmem>>, vector<1x4096xf32>
    %swap3A_265 = vector.shape_cast %swap3A_264 : vector<1x4096xf32> to vector<4096xf32>
    %swap3A_266 = vector.shape_cast %div3A_224 : vector<4096xf32> to vector<1x4096xf32>
    tpu.vector_store %arg7[%swap3A_262, %swap3A_263], %swap3A_266 {strides = array<i32>} : memref<12x4096xf32, #tpu.memory_space<vmem>>, vector<1x4096xf32>,
    %swap3A_267 = arith.constant 6 : index
    %swap3A_268 = arith.constant 0 : index
    %swap3A_269 = vector.load %arg7[%swap3A_267, %swap3A_268] : memref<12x4096xf32, #tpu.memory_space<vmem>>, vector<1x4096xf32>
    %swap3A_270 = vector.shape_cast %swap3A_269 : vector<1x4096xf32> to vector<4096xf32>
    %swap3A_271 = vector.shape_cast %div3A_225 : vector<4096xf32> to vector<1x4096xf32>
    tpu.vector_store %arg7[%swap3A_267, %swap3A_268], %swap3A_271 {strides = array<i32>} : memref<12x4096xf32, #tpu.memory_space<vmem>>, vector<1x4096xf32>,
    %swap3A_272 = arith.constant 7 : index
    %swap3A_273 = arith.constant 0 : index
    %swap3A_274 = vector.load %arg7[%swap3A_272, %swap3A_273] : memref<12x4096xf32, #tpu.memory_space<vmem>>, vector<1x4096xf32>
    %swap3A_275 = vector.shape_cast %swap3A_274 : vector<1x4096xf32> to vector<4096xf32>
    %swap3A_276 = vector.shape_cast %select_n3A : vector<4096xf32> to vector<1x4096xf32>
    tpu.vector_store %arg7[%swap3A_272, %swap3A_273], %swap3A_276 {strides = array<i32>} : memref<12x4096xf32, #tpu.memory_space<vmem>>, vector<1x4096xf32>,
    %get3A_277 = arith.constant 0 : index
    %get3A_278 = arith.constant 0 : index
    %get3A_279 = vector.load %arg3[%get3A_277, %get3A_278] : memref<3x4096xf32, #tpu.memory_space<vmem>>, vector<1x4096xf32>
    %get3A_280 = vector.shape_cast %get3A_279 : vector<1x4096xf32> to vector<4096xf32>
    %logistic3A_281 = arith.negf %get3A_280 : vector<4096xf32>
    %logistic3A_282 = math.exp %logistic3A_281 : vector<4096xf32>
    %logistic3A_283 = arith.constant 1.000000e+00 : f32
    %logistic3A_284 = vector.broadcast %logistic3A_283 : f32 to vector<4096xf32>
    %logistic3A_285 = arith.addf %logistic3A_284, %logistic3A_282 : vector<4096xf32>
    %logistic3A_286 = arith.divf %logistic3A_284, %logistic3A_285 : vector<4096xf32>
    %swap3A_287 = arith.constant 8 : index
    %swap3A_288 = arith.constant 0 : index
    %swap3A_289 = vector.load %arg7[%swap3A_287, %swap3A_288] : memref<12x4096xf32, #tpu.memory_space<vmem>>, vector<1x4096xf32>
    %swap3A_290 = vector.shape_cast %swap3A_289 : vector<1x4096xf32> to vector<4096xf32>
    %swap3A_291 = vector.shape_cast %logistic3A_286 : vector<4096xf32> to vector<1x4096xf32>
    tpu.vector_store %arg7[%swap3A_287, %swap3A_288], %swap3A_291 {strides = array<i32>} : memref<12x4096xf32, #tpu.memory_space<vmem>>, vector<1x4096xf32>,
    %get3A_292 = arith.constant 1 : index
    %get3A_293 = arith.constant 0 : index
    %get3A_294 = vector.load %arg3[%get3A_292, %get3A_293] : memref<3x4096xf32, #tpu.memory_space<vmem>>, vector<1x4096xf32>
    %get3A_295 = vector.shape_cast %get3A_294 : vector<1x4096xf32> to vector<4096xf32>
    %logistic3A_296 = arith.negf %get3A_295 : vector<4096xf32>
    %logistic3A_297 = math.exp %logistic3A_296 : vector<4096xf32>
    %logistic3A_298 = arith.constant 1.000000e+00 : f32
    %logistic3A_299 = vector.broadcast %logistic3A_298 : f32 to vector<4096xf32>
    %logistic3A_300 = arith.addf %logistic3A_299, %logistic3A_297 : vector<4096xf32>
    %logistic3A_301 = arith.divf %logistic3A_299, %logistic3A_300 : vector<4096xf32>
    %swap3A_302 = arith.constant 9 : index
    %swap3A_303 = arith.constant 0 : index
    %swap3A_304 = vector.load %arg7[%swap3A_302, %swap3A_303] : memref<12x4096xf32, #tpu.memory_space<vmem>>, vector<1x4096xf32>
    %swap3A_305 = vector.shape_cast %swap3A_304 : vector<1x4096xf32> to vector<4096xf32>
    %swap3A_306 = vector.shape_cast %logistic3A_301 : vector<4096xf32> to vector<1x4096xf32>
    tpu.vector_store %arg7[%swap3A_302, %swap3A_303], %swap3A_306 {strides = array<i32>} : memref<12x4096xf32, #tpu.memory_space<vmem>>, vector<1x4096xf32>,
    %get3A_307 = arith.constant 2 : index
    %get3A_308 = arith.constant 0 : index
    %get3A_309 = vector.load %arg3[%get3A_307, %get3A_308] : memref<3x4096xf32, #tpu.memory_space<vmem>>, vector<1x4096xf32>
    %get3A_310 = vector.shape_cast %get3A_309 : vector<1x4096xf32> to vector<4096xf32>
    %logistic3A_311 = arith.negf %get3A_310 : vector<4096xf32>
    %logistic3A_312 = math.exp %logistic3A_311 : vector<4096xf32>
    %logistic3A_313 = arith.constant 1.000000e+00 : f32
    %logistic3A_314 = vector.broadcast %logistic3A_313 : f32 to vector<4096xf32>
    %logistic3A_315 = arith.addf %logistic3A_314, %logistic3A_312 : vector<4096xf32>
    %logistic3A_316 = arith.divf %logistic3A_314, %logistic3A_315 : vector<4096xf32>
    %swap3A_317 = arith.constant 10 : index
    %swap3A_318 = arith.constant 0 : index
    %swap3A_319 = vector.load %arg7[%swap3A_317, %swap3A_318] : memref<12x4096xf32, #tpu.memory_space<vmem>>, vector<1x4096xf32>
    %swap3A_320 = vector.shape_cast %swap3A_319 : vector<1x4096xf32> to vector<4096xf32>
    %swap3A_321 = vector.shape_cast %logistic3A_316 : vector<4096xf32> to vector<1x4096xf32>
    tpu.vector_store %arg7[%swap3A_317, %swap3A_318], %swap3A_321 {strides = array<i32>} : memref<12x4096xf32, #tpu.memory_space<vmem>>, vector<1x4096xf32>,
    %broadcast_in_dim3A_322 = arith.constant 0.000000e+00 : f32
    %broadcast_in_dim3A_323 = vector.broadcast %broadcast_in_dim3A_322 : f32 to vector<4096xf32>
    %swap3A_324 = arith.constant 11 : index
    %swap3A_325 = arith.constant 0 : index
    %swap3A_326 = vector.load %arg7[%swap3A_324, %swap3A_325] : memref<12x4096xf32, #tpu.memory_space<vmem>>, vector<1x4096xf32>
    %swap3A_327 = vector.shape_cast %swap3A_326 : vector<1x4096xf32> to vector<4096xf32>
    %swap3A_328 = vector.shape_cast %broadcast_in_dim3A_323 : vector<4096xf32> to vector<1x4096xf32>
    tpu.vector_store %arg7[%swap3A_324, %swap3A_325], %swap3A_328 {strides = array<i32>} : memref<12x4096xf32, #tpu.memory_space<vmem>>, vector<1x4096xf32>,
    return
  }
  func.func @transform_0(%arg0: i32) -> (i32, i32) {
    %c0_i32 = arith.constant 0 : i32
    %c0_i32_0 = arith.constant 0 : i32
    return %c0_i32, %arg0 : i32, i32
  }
  func.func @transform_1(%arg0: i32) -> (i32, i32) {
    %c0_i32 = arith.constant 0 : i32
    %c0_i32_0 = arith.constant 0 : i32
    return %c0_i32, %arg0 : i32, i32
  }
  func.func @transform_2(%arg0: i32) -> (i32, i32) {
    %c0_i32 = arith.constant 0 : i32
    %c0_i32_0 = arith.constant 0 : i32
    return %c0_i32, %arg0 : i32, i32
  }
  func.func @transform_3(%arg0: i32) -> (i32, i32) {
    %c0_i32 = arith.constant 0 : i32
    %c0_i32_0 = arith.constant 0 : i32
    return %c0_i32, %arg0 : i32, i32
  }
  func.func @transform_4(%arg0: i32) -> (i32, i32) {
    %c0_i32 = arith.constant 0 : i32
    %c0_i32_0 = arith.constant 0 : i32
    %c0_i32_1 = arith.constant 0 : i32
    return %c0_i32, %c0_i32_0 : i32, i32
  }
  func.func @transform_5(%arg0: i32) -> (i32, i32) {
    %c0_i32 = arith.constant 0 : i32
    %c0_i32_0 = arith.constant 0 : i32
    %c0_i32_1 = arith.constant 0 : i32
    return %c0_i32, %c0_i32_0 : i32, i32
  }
  func.func @transform_6(%arg0: i32) -> (i32, i32) {
    %c0_i32 = arith.constant 0 : i32
    %c0_i32_0 = arith.constant 0 : i32
    return %c0_i32, %arg0 : i32, i32
  }
}

</mosaic_0001>

<sc_bundles>
// kernel: kernel.5.cloned.1.call-start
scs
__scs_entry_jumppad:
0x0: {  	(pc) =	sbr.rel $0x88, $3  }
0x1: {  	(tag) =	ssettag $0x0;
	lr =	simm.s32 $0x1  }
0x2: {  	[smem:$0x3F9B] =	sst lr;
	_ =	strace $0xD0000000  }
0x3: {  	_ = 	snop  }
0x4: {  	_ = 	snop  }
0x5: {  	_ = 	snop  }
0x6: {  	_ = 	snop  }
0x7: {  	_ = 	snop  }
__scs_overlays_trampoline_lowered:
0x8: {  	[smem:$0x3FAA] =	sst s0  }
0x9: {  	[smem:$0x3FAB] =	sst s1  }
0xa: {  	[smem:$0x3FAC] =	sst s2  }
0xb: {  	[smem:$0x3FAD] =	sst s3  }
0xc: {  	[smem:$0x3FAE] =	sst s4  }
0xd: {  	[smem:$0x3FAF] =	sst s5  }
0xe: {  	[smem:$0x3FB0] =	sst s6  }
0xf: {  	[smem:$0x3FB1] =	sst s7  }
0x10: {  	[smem:$0x3FB2] =	sst s8  }
0x11: {  	[smem:$0x3FB3] =	sst s9;
	s0 =	simm.s32 @!p0 $0x0  }
0x12: {  	s1 =	sld [smem:$0x3F99];
	s0 =	simm.s32 @p0 $0x1  }
0x13: {  	[smem:$0x3FB4] =	sst s0;
	s0 =	simm.s32 @!p1 $0x0  }
0x14: {  	s2 =	sld [smem:$0x3F98];
	s0 =	simm.s32 @p1 $0x1  }
0x15: {  	[smem:$0x3FB5] =	sst s0;
	s0 =	simm.s32 @!p2 $0x0  }
0x16: {  	s3 =	sld [smem:$0x3FDB];
	s0 =	simm.s32 @p2 $0x1  }
0x17: {  	s4 =	simm.s32 $0x1BF5;
	[smem:$0x3FB7] =	sst s0  }
0x18: {  	s0 =	sld [smem:$0x3F9A];
	_ =	swait.ge [sflag:s4], $0x0  }
0x19: {  	s7 =	sld [smem:$0x3F9B]  }
0x1a: {  	s8 =	sadd.s32 $0xFFFFE003, lr  }
0x1b: {  	s9 =	sadd.s32 $0xFFFFFEF7, lr;
	s5 =	simm.s32 $0xFFFFFFFF;
	p2 =	slt.u32 s8, $0xFFFFF086  }
0x1c: {  	p1 =	slt.u32 s9, $0xF7A;
	s5 =	simm.s32 @!p2 $0x0  }
0x1d: {  	s5 =	simm.s32 @p1 $0x1;
	p0 =	seq.s32 s7, s2  }
0x1e: {  	s7 =	smul.u32 @!p0 $0xF7A, s2;
	p2 =	seq.s32 @!p0 s5, $0x0  }
0x1f: {  	s9 =	smul.u32 $0xF7A, s1;
	s8 =	simm.s32 @!p0 $0x1BF5;
	p2 =	por !p2, p0  }
0x20: {  	[sflag:s8] =	ssyncset.s32 @!p0 $0xFFFFF086;
	s6 =	sadd.s32 @!p0 s3, s7;
	s7 =	simm.s32 @!p0 $0x108  }
0x21: {  	s3 =	sadd.s32 s3, s9;
	s6 =	sadd.s32 @!p0 $0x88, s6;
	s7 =	simm.s32 @p2 $0x1082  }
0x22: {  	[simem:s7], [sflag:s8] =	dma.local @!p0 [hbm:s6], $0xF7A  }
0x23: {  	s9 =	sor.u32 $0xD0000000, s2;
	s6 =	simm.s32 $0x108;
	_ =	swait.ge @!p0 [sflag:s8], $0x0  }
0x24: {  	s3 =	sadd.s32 $0x88, s3;
	s6 =	simm.s32 @!p1 $0x1082;
	[sflag:s4] =	ssyncset.s32 $0xFFFFF086  }
0x25: {  	[simem:s6], [sflag:s4] =	dma.local [hbm:s3], $0xF7A  }
0x26: {  	[smem:$0x3F9B] =	sst s1;
	(tag) =	ssettag s2;
	_ =	strace s9  }
0x27: {  	s1 =	sld [smem:$0x3FAB]  }
0x28: {  	s2 =	sld [smem:$0x3FAC]  }
0x29: {  	s4 =	sld [smem:$0x3FAE]  }
0x2a: {  	p0 =	seq.s32 s5, $0x0;
	s5 =	sld [smem:$0x3FAF]  }
0x2b: {  	s6 =	sld [smem:$0x3FB0]  }
0x2c: {  	s7 =	sld [smem:$0x3FB1]  }
0x2d: {  	s3 =	simm.s32 $0x108;
	s8 =	sld [smem:$0x3FB2]  }
0x2e: {  	s3 =	simm.s32 @!p0 $0x1082;
	s9 =	sld [smem:$0x3FB3]  }
0x2f: {  	lr =	sadd.s32 s0, s3;
	s0 =	sld [smem:$0x3FAA]  }
0x30: {  	s3 =	sld [smem:$0x3FAD]  }
0x31: {  	[smem:$0x3FB6] =	sst s10  }
0x32: {  	s10 =	sld [smem:$0x3FB4];
	_ =	sdelay $0x3  }
0x33: {  	p0 =	seq.s32 s10, $0x1;
	s10 =	sld [smem:$0x3FB6];
	_ =	sdelay $0x3  }
0x34: {  	[smem:$0x3FB6] =	sst s10  }
0x35: {  	s10 =	sld [smem:$0x3FB5];
	_ =	sdelay $0x3  }
0x36: {  	p1 =	seq.s32 s10, $0x1;
	s10 =	sld [smem:$0x3FB6];
	_ =	sdelay $0x3  }
0x37: {  	[smem:$0x3FB6] =	sst s10  }
0x38: {  	s10 =	sld [smem:$0x3FB7]  }
0x39: {  	_ = 	snop;
	(pc) =	sbr.ind lr, $3  }
0x3a: {  	_ = 	snop  }
0x3b: {  	_ = 	snop  }
0x3c: {  	p2 =	seq.s32 s10, $0x1;
	s10 =	sld [smem:$0x3FB6]  }
0x3d: {  	_ =	shalt  }
0x3e: {  	_ =	shalt  }
0x3f: {  	_ =	shalt  }
0x40: {  	_ =	shalt  }
0x41: {  	_ =	shalt  }
0x42: {  	_ =	shalt  }
0x43: {  	_ =	shalt  }
0x44: {  	_ =	shalt  }
0x45: {  	_ =	shalt  }
0x46: {  	_ =	shalt  }
0x47: {  	_ =	shalt  }
0x48: {  	_ =	shalt  }
0x49: {  	_ =	shalt  }
0x4a: {  	_ =	shalt  }
0x4b: {  	_ =	shalt  }
0x4c: {  	_ =	shalt  }
0x4d: {  	_ =	shalt  }
0x4e: {  	_ =	shalt  }
0x4f: {  	_ =	shalt  }
0x50: {  	_ =	shalt  }
0x51: {  	_ =	shalt  }
0x52: {  	_ =	shalt  }
0x53: {  	_ =	shalt  }
0x54: {  	_ =	shalt  }
0x55: {  	_ =	shalt  }
0x56: {  	_ =	shalt  }
0x57: {  	_ =	shalt  }
0x58: {  	_ =	shalt  }
0x59: {  	_ =	shalt  }
0x5a: {  	_ =	shalt  }
0x5b: {  	_ =	shalt  }
0x5c: {  	_ =	shalt  }
0x5d: {  	_ =	shalt  }
0x5e: {  	_ =	shalt  }
0x5f: {  	_ =	shalt  }
0x60: {  	_ =	shalt  }
0x61: {  	_ =	shalt  }
0x62: {  	_ =	shalt  }
0x63: {  	_ =	shalt  }
0x64: {  	_ =	shalt  }
0x65: {  	_ =	shalt  }
0x66: {  	_ =	shalt  }
0x67: {  	_ =	shalt  }
0x68: {  	_ =	shalt  }
0x69: {  	_ =	shalt  }
0x6a: {  	_ =	shalt  }
0x6b: {  	_ =	shalt  }
0x6c: {  	_ =	shalt  }
0x6d: {  	_ =	shalt  }
0x6e: {  	_ =	shalt  }
0x6f: {  	_ =	shalt  }
0x70: {  	_ =	shalt  }
0x71: {  	_ =	shalt  }
0x72: {  	_ =	shalt  }
0x73: {  	_ =	shalt  }
0x74: {  	_ =	shalt  }
0x75: {  	_ =	shalt  }
0x76: {  	_ =	shalt  }
0x77: {  	_ =	shalt  }
0x78: {  	_ =	shalt  }
0x79: {  	_ =	shalt  }
0x7a: {  	_ =	shalt  }
0x7b: {  	_ =	shalt  }
0x7c: {  	_ =	shalt  }
0x7d: {  	_ =	shalt  }
0x7e: {  	_ =	shalt  }
0x7f: {  	_ =	shalt  }
0x80: {  	_ =	shalt  }
0x81: {  	_ =	shalt  }
0x82: {  	_ =	shalt  }
0x83: {  	_ =	shalt  }
0x84: {  	_ =	shalt  }
0x85: {  	_ =	shalt  }
0x86: {  	_ =	shalt  }
0x87: {  	_ =	shalt  }
.Lfunc_end0:
.L_simem_size_0:
called_computation_lowered:
.L_overlay_start_0:
0x88: {  	s2 =	sld [smem:$0x3FD9]  }
0x89: {  	s3 =	sld [smem:$0x3FFE];
	_ =	sdelay $0x1  }
0x8a: {  	s1 =	srdreg.scid  }
0x8b: {  	s0 =	sand.u32 $0x1, s1  }
0x8c: {  	s17 =	sshll.u32 s0, $0xA;
	s2 =	sadd.s32 s3, s2  }
0x8d: {  	s2 =	sadd.s32 s2, s17  }
0x8e: {  	[smem:$0x3FC2] =	sst s2  }
0x8f: {  	_ = 	snop  }
0x90: {  	s2 =	sld [smem:$0x3FD0];
	(tm) =	ssettm $0x1  }
0x91: {  	s18 =	sld [smem:$0x3FFB];
	_ =	sdelay $0x3  }
0x92: {  	_ =	strace s18  }
0x93: {  	s3 =	sld [smem:$0x3FFC];
	_ =	sdelay $0x3  }
0x94: {  	_ =	strace s3  }
0x95: {  	s3 =	sld [smem:$0x3FFD];
	_ =	sdelay $0x3  }
0x96: {  	_ =	strace s3  }
0x97: {  	_ =	strace $0x8FFFFFFF  }
0x98: {  	s19 =	sld [smem:$0x3FDB];
	_ =	sdelay $0x1  }
0x99: {  	s4 =	simm.s32 $_scs_section_size  }
0x9a: {  	s5 =	simm.s32 $_size__tile_overlayer_lowered;
	s6 =	simm.s32 $_tile_overlayer_lowered  }
0x9b: {  	s22 =	simm.s32 $0x1BFF;
	s21 =	sshll.u32 s6, $0x1;
	s3 =	sadd.s32 s4, s19  }
0x9c: {  	s7 =	simm.s32 $0x0;
	s20 =	sshll.u32 s5, $0x1;
	s5 =	sadd.s32 s21, s3  }
0x9d: {  	[timem:s7], [sflag:s22] =	dma.local [hbm:s5], s20  }
0x9e: {  	_ =	swait.ge [sflag:s22], s20  }
0x9f: {  	s4 =	ssub.s32 $0x0, s20;
	[sflag:s22] =	ssyncset.done $0x0  }
0xa0: {  	[sflag:s22] =	ssyncadd.s32 s4;
	_ =	sdelay $0x1  }
0xa1: {  	s23 =	simm.s32 $0x1B8B  }
0xa2: {  	_ =	swait.ge [sflag:s23], $0x1  }
0xa3: {  	[sflag:s23] =	ssyncset.done $0x0  }
0xa4: {  	s25 =	simm.s32 $0x1B8E;
	s24 =	sld [smem:$0x3FFE];
	[sflag:s23] =	ssyncadd.s32 $0xFFFFFFFF  }
0xa5: {  	s26 =	simm.s32 $execute0_lowered;
	[smem:$0x3FD2] =	sst s25  }
0xa6: {  	s5 =	sshll.u32 s26, $0x1;
	_ =	strace $0x80000046;
	[dreg:$0x1] =	wrdreg $0xFFFFFFFF  }
0xa7: {  	s28 =	simm.s32 $_size_execute0_lowered;
	s3 =	sadd.s32 s3, s5;
	[dreg:$0x0] =	wrdreg $0x0  }
0xa8: {  	s5 =	sshll.u32 s28, $0x1;
	[dreg:$0x2] =	wrdreg s3  }
0xa9: {  	[dreg:$0x3] =	wrdreg s5  }
0xaa: {  	[dreg:$0x4] =	wrdreg $0xC0  }
0xab: {  	_ =	task [dreg:s7], $0x5FFFF  }
0xac: {  	[dreg:$0x1] =	wrdreg $0xFFFFFFFF  }
0xad: {  	[dreg:$0x0] =	wrdreg $0x60  }
0xae: {  	[dreg:$0x2] =	wrdreg s2  }
0xaf: {  	[dreg:$0x3] =	wrdreg s24  }
0xb0: {  	[dreg:$0x4] =	wrdreg $0x9  }
0xb1: {  	_ =	task.clear_ibuf [dreg:s7], $0x5FFFF;
	_ =	strace $0x90000046  }
0xb2: {  	s29 =	simm.s32 $0x9;
	_ =	strace $0x80000048  }
0xb3: {  	_ =	swait.ge [sflag:s29], $0x1  }
0xb4: {  	[sflag:s29] =	ssyncadd.s32 $0xFFFFFFFF  }
0xb5: {  	_ =	strace $0x90000048  }
0xb6: {  	_ =	sfence  }
0xb7: {  	s30 =	sld [smem:$0x0];
	_ =	sdelay $0x2  }
0xb8: {  	s31 =	sshll.u32 s1, $0xD;
	s1 =	sshrl.u32 s1, $0x2  }
0xb9: {  	s3 =	sand.u32 $0x4000, s31;
	s1 =	sadd.s32 s1, s30  }
0xba: {  	s0 =	sor.u32 s3, s0;
	s1 =	sshll.u32 s1, $0x11  }
0xbb: {  	s0 =	sor.u32 s1, s0  }
0xbc: {  	s0 =	sadd.s32 $0x8F2B, s0  }
0xbd: {  	[sflag:s0] =	ssyncadd.remote.s32 $0x1  }
0xbe: {  	_ =	sfence.sel $0xFFFF  }
0xbf: {  	[dreg:$0x0] =	wrdreg $0xFFFFFFFF;
	(pc) =	sbr.abs _section_cstart, $3  }
0xc0: {  	[dreg:$0x1] =	wrdreg $0xFFFFFFFF  }
0xc1: {  	_ =	task.clear_ibuf [dreg:s7], $0x2FFFF;
	_ =	strace $0x9FFFFFFF  }
0xc2: {  	(tm) =	ssettm $0x7FFFFFFF  }
0xc3: {  	_ =	shalt  }
tec
execute0_lowered:
.L_overlay_start_1:
0x0: {  	(tag) =	ssettag $0x1  }
0x1: {  	s1 =	rddreg [dreg:$0x0]  }
0x2: {  	s5 =	rddreg [dreg:$0x1]  }
0x3: {  	s0 =	rddreg [dreg:$0x2];
	s2 =	simm.s32 $0x0  }
0x4: {  	s6 =	srdreg.scid;
	s3 =	stileid.u32;
	s13 =	simm.s32 $0x5080  }
0x5: {  	s15 =	simm.s32 $0xD080;
	s16 =	simm.s32 $0x800;
	s18 =	simm.s32 $0x200  }
0x6: {  	s19 =	simm.s32 $0x0;
	[smem:$0x7FF] =	sst s2;
	s4 =	sadd.s32 $0x3400, s5  }
0x7: {  	s6 =	sand.u32 $0x1, s6;
	s7 =	sshll.u32 s3, $0xD;
	s10 =	sshll.u32 s3, $0x5  }
0x8: {  	_ =	strace $0x80000047;
	s8 =	sshll.u32 s6, $0x11;
	s9 =	ssub.s32 $0x2, s6  }
0x9: {  	s30 =	sadd.s32 $0xFFFFFFFE, s10;
	s31 =	sadd.s32 $0x21, s10;
	s7 =	sor.u32 s7, s8  }
0xa: {  	s29 =	sshrl.u32 s9, $0x1;
	s14 =	scvt.s32.f32 s30;
	s17 =	scvt.s32.f32 s31  }
0xb: {  	s11 =	sadd.s32 s7, s5;
	s12 =	ssub.s32 s9, s29;
	s5 =	smul.u32 $0x3E000, s6  }
0xc: {  	s6 =	sadd.s32 $0xB400, s11;
	s7 =	sadd.s32 $0xB410, s11;
	s8 =	sadd.s32 $0xB420, s11  }
0xd: {  	v2 =	vimm.s32 $0x0;
	s9 =	sadd.s32 $0xB430, s11;
	s10 =	smax.u32 s12, $0x1;
	s11 =	simm.s32 $0x1080  }
0xe: {  	v3 =	vlaneseq.u32;
	s12 =	simm.s32 $0x1;
	v0 =	vmov s14;
	s14 =	simm.s32 $0x9080;
	v1 =	vmov s17;
	s17 =	simm.s32 $0x80  }
.LBB2_1:
0xf: {  	[tilespmem:s11], [sflag:$0x1] =	stream.linear.gather [hbm4b:s4+s2], $0x4000, $0x38;
	[tilespmem:$0x11080] =	vst v63  }
0x10: {  	_ =	swait.ge [sflag:s12], $0x4000  }
0x11: {  	[sflag:s12] =	ssyncset.done $0x0  }
0x12: {  	[sflag:s12] =	ssyncadd.s32 $0xFFFFC000  }
0x13: {  	[tilespmem:s13], [sflag:$0x1] =	stream.linear.gather [hbm4b:s4+s2], $0x4000, $0x38;
	[tilespmem:$0x11080] =	vst v63  }
0x14: {  	_ =	swait.ge [sflag:s12], $0x4000  }
0x15: {  	[sflag:s12] =	ssyncset.done $0x0  }
0x16: {  	[sflag:s12] =	ssyncadd.s32 $0xFFFFC000  }
0x17: {  	[tilespmem:s14], [sflag:$0x1] =	stream.linear.gather [hbm4b:s4+s2], $0x4000, $0x38;
	[tilespmem:$0x11080] =	vst v63  }
0x18: {  	_ =	swait.ge [sflag:s12], $0x4000  }
0x19: {  	[sflag:s12] =	ssyncset.done $0x0  }
0x1a: {  	[sflag:s12] =	ssyncadd.s32 $0xFFFFC000  }
0x1b: {  	[tilespmem:s15], [sflag:$0x1] =	stream.linear.gather [hbm4b:s4+s2], $0x4000, $0x38;
	[tilespmem:$0x11080] =	vst v63  }
0x1c: {  	_ =	swait.ge [sflag:s12], $0x4000  }
0x1d: {  	[sflag:s12] =	ssyncset.done $0x0  }
0x1e: {  	s20 =	simm.s32 $0x40;
	s21 =	simm.s32 $0x0;
	[sflag:s12] =	ssyncadd.s32 $0xFFFFC000  }
.LBB2_2:
0x1f: {  	p0 =	sne.s32 s20, $0x1FC0;
	[tilespmem:s21+$0x800] =	vst v2;
	s21 =	smov.u32 s20;
	s20 =	sadd.s32 $0x40, s20  }
.Ltmp0:
0x20: {  	(pc) =	sbr.rel @p0 .LBB2_2-.Ltmp0, $2  }
0x21: {  	_ =	sdelay $0x2  }
0x22: {  	s21 =	sshra.s32 s21, $0x2  }
0x23: {  	[tilespmem:s21+$0x800] =	vst v2;
	s20 =	simm.s32 $0x0;
	s21 =	smov.u32 s5;
	s22 =	simm.s32 $0x0  }
.LBB2_4:
0x24: {  	s23 =	sshll.u32 s22, $0xB  }
0x25: {  	s23 =	sadd.s32 s5, s23  }
0x26: {  	s23 =	sshrl.u32 s23, $0x3  }
0x27: {  	s23 =	sadd.s32 s1, s23  }
0x28: {  	[tilespmem:s20], [sflag:$0x1] =	stream.linear.gather [hbm4b:s23+s20], $0x800, $0x38;
	[tilespmem:$0x11080] =	vst v63  }
0x29: {  	_ =	swait.ge [sflag:s12], $0x800  }
0x2a: {  	[sflag:s12] =	ssyncset.done $0x0  }
0x2b: {  	s30 =	simm.s32 $0x0;
	[sflag:s12] =	ssyncadd.s32 $0xFFFFF800  }
0x2c: {  	v4 =	vld [tilespmem:s30+$0x0];
	_ =	sdelay $0x4  }
0x2d: {  	vm0 =	vge.f32 v4, v0;
	vm1 =	vle.f32 v4, v1  }
0x2e: {  	vm0 =	vmand vm0, vm1  }
0x2f: {  	v4 =	vmpcnt.ones.xlane vm0;
	_ =	sdelay $0x1  }
0x30: {  	(v2sf) =	vpush v4, $0x0;
	v4 =	vsel vm0, $0x1, v2  }
0x31: {  	(xrf0) =	vadd.scan.msk.s32 $0xffff, v4;
	_ =	sdelay $0x2  }
0x32: {  	v4 =	vmov s20  }
0x33: {  	v4 =	vadd.s32 $0xFFFFFFFF, v4  }
0x34: {  	v4 =	vbroadcast v4, $0x0  }
0x35: {  	v5, _, _ =	vpop (xrf0)  }
0x36: {  	v4 =	vadd.s32 v5, v4;
	_ =	sdelay $0x3  }
0x37: {  	v5 =	vor.u32 s21, v3  }
0x38: {  	s31 =	simm.s32 $0x10;
	[tilespmem:v4+s16+$0x0] =	vst.idx.msk vm0, v5  }
0x39: {  	v4 =	vld [tilespmem:s31+$0x0]  }
0x3a: {  	s26 =	simm.s32 $0x80  }
0x3b: {  	s24 =	simm.s32 $0x0;
	s23 =	smov.u32 s21;
	s25 =	spop (v2sf)  }
.LBB2_5:
0x3c: {  	s24 =	sadd.s32 s24, s25  }
0x3d: {  	s23 =	sadd.s32 $0x10, s23;
	s25 =	smov.u32 s26;
	s28 =	sadd.s32 $0x40, s26  }
0x3e: {  	p0 =	sne.s32 s26, $0x1FC0;
	vm0 =	vge.f32 v4, v0;
	vm1 =	vle.f32 v4, v1;
	v4 =	vmov s24  }
0x3f: {  	vm0 =	vmand vm0, vm1;
	v4 =	vadd.s32 $0xFFFFFFFF, v4  }
0x40: {  	v5 =	vsel vm0, $0x1, v2;
	v6 =	vmpcnt.ones.xlane vm0  }
0x41: {  	(xrf0) =	vadd.scan.msk.s32 $0xffff, v5  }
0x42: {  	(v2sf) =	vpush v6, $0x0;
	_ =	sdelay $0x3  }
0x43: {  	v4 =	vbroadcast v4, $0x0  }
0x44: {  	v5, _, _ =	vpop (xrf0)  }
0x45: {  	v4 =	vadd.s32 v5, v4;
	_ =	sdelay $0x3  }
0x46: {  	v5 =	vor.u32 s23, v3  }
.Ltmp1:
0x47: {  	s25 =	sshra.s32 s25, $0x2;
	[tilespmem:v4+s16+$0x0] =	vst.idx.msk vm0, v5;
	(pc) =	sbr.rel @p0 .LBB2_5-.Ltmp1, $2  }
0x48: {  	v4 =	vld [tilespmem:s25+$0x0];
	_ =	sdelay $0x2  }
0x49: {  	s26 =	smov.u32 s28;
	s25 =	spop (v2sf)  }
0x4a: {  	_ = 	snop  }
0x4b: {  	vm0 =	vge.f32 v4, v0;
	vm1 =	vle.f32 v4, v1  }
0x4c: {  	vm0 =	vmand vm0, vm1  }
0x4d: {  	v4 =	vmpcnt.ones.xlane vm0;
	_ =	sdelay $0x1  }
0x4e: {  	(v2sf) =	vpush v4, $0x0;
	_ =	sdelay $0x1  }
0x4f: {  	v4 =	vsel vm0, $0x1, v2  }
0x50: {  	(xrf0) =	vadd.scan.msk.s32 $0xffff, v4;
	_ =	sdelay $0x1  }
0x51: {  	s24 =	sadd.s32 s24, s25  }
0x52: {  	v4 =	vmov s24  }
0x53: {  	v4 =	vadd.s32 $0xFFFFFFFF, v4  }
0x54: {  	v4 =	vbroadcast v4, $0x0  }
0x55: {  	s22 =	sadd.s32 $0x1, s22;
	v5, _, _ =	vpop (xrf0)  }
0x56: {  	p0 =	sne.s32 s22, $0x7C;
	v4 =	vadd.s32 v5, v4  }
.Ltmp2:
0x57: {  	_ = 	snop;
	(pc) =	sbr.rel @p0 .LBB2_4-.Ltmp2, $4  }
0x58: {  	_ = 	snop  }
0x59: {  	s23 =	sadd.s32 $0x10, s23  }
0x5a: {  	v5 =	vor.u32 s23, v3  }
0x5b: {  	s21 =	sadd.s32 $0x800, s21;
	[tilespmem:v4+s16+$0x0] =	vst.idx.msk vm0, v5;
	s31 =	spop (v2sf)  }
0x5c: {  	[hbm4b:s6+s17] =	stream.strided.scatter [tilespmem:s11], [sflag:$0x1], $0x4000, s18, s17, $0x38;
	[tilespmem:$0x11080] =	vst v63  }
0x5d: {  	_ =	swait.ge [sflag:s12], $0x4000  }
0x5e: {  	[sflag:s12] =	ssyncset.done $0x0  }
0x5f: {  	[sflag:s12] =	ssyncadd.s32 $0xFFFFC000  }
0x60: {  	[hbm4b:s7+s17] =	stream.strided.scatter [tilespmem:s13], [sflag:$0x1], $0x4000, s18, s17, $0x38;
	[tilespmem:$0x11080] =	vst v63  }
0x61: {  	_ =	swait.ge [sflag:s12], $0x4000  }
0x62: {  	[sflag:s12] =	ssyncset.done $0x0  }
0x63: {  	[sflag:s12] =	ssyncadd.s32 $0xFFFFC000  }
0x64: {  	[hbm4b:s8+s17] =	stream.strided.scatter [tilespmem:s14], [sflag:$0x1], $0x4000, s18, s17, $0x38;
	[tilespmem:$0x11080] =	vst v63  }
0x65: {  	s19 =	sadd.s32 $0x1, s19;
	_ =	swait.ge [sflag:s12], $0x4000  }
0x66: {  	p0 =	sne.s32 s19, s10;
	[sflag:s12] =	ssyncset.done $0x0  }
.Ltmp3:
0x67: {  	[sflag:s12] =	ssyncadd.s32 $0xFFFFC000;
	(pc) =	sbr.rel @p0 .LBB2_1-.Ltmp3, $4  }
0x68: {  	[hbm4b:s9+s17] =	stream.strided.scatter [tilespmem:s15], [sflag:$0x1], $0x4000, s18, s17, $0x38;
	[tilespmem:$0x11080] =	vst v63  }
0x69: {  	_ =	swait.ge [sflag:s12], $0x4000  }
0x6a: {  	[sflag:s12] =	ssyncset.done $0x0  }
0x6b: {  	[sflag:s12] =	ssyncadd.s32 $0xFFFFC000  }
0x6c: {  	_ =	sfence.sel $0x180000  }
0x6d: {  	[bflag:$0x0] =	sbarrier.arrive $0xFFFF  }
0x6e: {  	p0 =	sne.s32 s3, $0x0;
	_ =	strace $0x90000047  }
0x6f: {  	s0 =	sadd.s32 @!p0 $0x100000, s0;
	[bflag:$0x2] =	sbarrier.arrive $0xFFFF  }
0x70: {  	[sflag:s0] =	ssyncadd.tile.s32 @!p0 $0x1;
	_ =	shalt  }
.Lfunc_end2:
_tile_overlayer_lowered:
.L_overlay_start_2:
0x71: {  	(tag) =	ssettag $0x2  }
0x72: {  	s0 =	rddreg [dreg:$0x0];
	s2 =	stileid.u32  }
0x73: {  	s1 =	rddreg [dreg:$0x1];
	p0 =	sne.s32 s2, $0x0  }
0x74: {  	s3 =	rddreg [dreg:$0x2];
	[bflag:$0x3] =	sbarrier.arrive $0xFFFF;
	s2 =	simm.s32 @!p0 $0x1C01  }
0x75: {  	[timem:s3], [sflag:s2] =	dma.local @!p0 [hbm:s0], s1  }
0x76: {  	s0 =	simm.s32 @!p0 $0x1  }
0x77: {  	_ =	swait.ge @!p0 [sflag:s0], s1  }
0x78: {  	s1 =	ssub.s32 @!p0 $0x0, s1;
	[sflag:s0] =	ssyncset.done @!p0 $0x0  }
0x79: {  	[sflag:s0] =	ssyncadd.s32 @!p0 s1  }
0x7a: {  	[bflag:$0x3] =	sbarrier.arrive $0xFFFF  }
0x7b: {  	_ =	shalt  }

// kernel: kernel.8.cloned.1.call-start
scs
__scs_entry_jumppad:
0x0: {  	(pc) =	sbr.rel $0x88, $3  }
0x1: {  	(tag) =	ssettag $0x0;
	lr =	simm.s32 $0x1  }
0x2: {  	[smem:$0x3F9B] =	sst lr;
	_ =	strace $0xD0000000  }
0x3: {  	_ = 	snop  }
0x4: {  	_ = 	snop  }
0x5: {  	_ = 	snop  }
0x6: {  	_ = 	snop  }
0x7: {  	_ = 	snop  }
__scs_overlays_trampoline_lowered:
0x8: {  	[smem:$0x3FAA] =	sst s0  }
0x9: {  	[smem:$0x3FAB] =	sst s1  }
0xa: {  	[smem:$0x3FAC] =	sst s2  }
0xb: {  	[smem:$0x3FAD] =	sst s3  }
0xc: {  	[smem:$0x3FAE] =	sst s4  }
0xd: {  	[smem:$0x3FAF] =	sst s5  }
0xe: {  	[smem:$0x3FB0] =	sst s6  }
0xf: {  	[smem:$0x3FB1] =	sst s7  }
0x10: {  	[smem:$0x3FB2] =	sst s8  }
0x11: {  	[smem:$0x3FB3] =	sst s9;
	s0 =	simm.s32 @!p0 $0x0  }
0x12: {  	s1 =	sld [smem:$0x3F99];
	s0 =	simm.s32 @p0 $0x1  }
0x13: {  	[smem:$0x3FB4] =	sst s0;
	s0 =	simm.s32 @!p1 $0x0  }
0x14: {  	s2 =	sld [smem:$0x3F98];
	s0 =	simm.s32 @p1 $0x1  }
0x15: {  	[smem:$0x3FB5] =	sst s0;
	s0 =	simm.s32 @!p2 $0x0  }
0x16: {  	s3 =	sld [smem:$0x3FDB];
	s0 =	simm.s32 @p2 $0x1  }
0x17: {  	s4 =	simm.s32 $0x1BF5;
	[smem:$0x3FB7] =	sst s0  }
0x18: {  	s0 =	sld [smem:$0x3F9A];
	_ =	swait.ge [sflag:s4], $0x0  }
0x19: {  	s7 =	sld [smem:$0x3F9B]  }
0x1a: {  	s8 =	sadd.s32 $0xFFFFE003, lr  }
0x1b: {  	s9 =	sadd.s32 $0xFFFFFEF7, lr;
	s5 =	simm.s32 $0xFFFFFFFF;
	p2 =	slt.u32 s8, $0xFFFFF086  }
0x1c: {  	p1 =	slt.u32 s9, $0xF7A;
	s5 =	simm.s32 @!p2 $0x0  }
0x1d: {  	s5 =	simm.s32 @p1 $0x1;
	p0 =	seq.s32 s7, s2  }
0x1e: {  	s7 =	smul.u32 @!p0 $0xF7A, s2;
	p2 =	seq.s32 @!p0 s5, $0x0  }
0x1f: {  	s9 =	smul.u32 $0xF7A, s1;
	s8 =	simm.s32 @!p0 $0x1BF5;
	p2 =	por !p2, p0  }
0x20: {  	[sflag:s8] =	ssyncset.s32 @!p0 $0xFFFFF086;
	s6 =	sadd.s32 @!p0 s3, s7;
	s7 =	simm.s32 @!p0 $0x108  }
0x21: {  	s3 =	sadd.s32 s3, s9;
	s6 =	sadd.s32 @!p0 $0x88, s6;
	s7 =	simm.s32 @p2 $0x1082  }
0x22: {  	[simem:s7], [sflag:s8] =	dma.local @!p0 [hbm:s6], $0xF7A  }
0x23: {  	s9 =	sor.u32 $0xD0000000, s2;
	s6 =	simm.s32 $0x108;
	_ =	swait.ge @!p0 [sflag:s8], $0x0  }
0x24: {  	s3 =	sadd.s32 $0x88, s3;
	s6 =	simm.s32 @!p1 $0x1082;
	[sflag:s4] =	ssyncset.s32 $0xFFFFF086  }
0x25: {  	[simem:s6], [sflag:s4] =	dma.local [hbm:s3], $0xF7A  }
0x26: {  	[smem:$0x3F9B] =	sst s1;
	(tag) =	ssettag s2;
	_ =	strace s9  }
0x27: {  	s1 =	sld [smem:$0x3FAB]  }
0x28: {  	s2 =	sld [smem:$0x3FAC]  }
0x29: {  	s4 =	sld [smem:$0x3FAE]  }
0x2a: {  	p0 =	seq.s32 s5, $0x0;
	s5 =	sld [smem:$0x3FAF]  }
0x2b: {  	s6 =	sld [smem:$0x3FB0]  }
0x2c: {  	s7 =	sld [smem:$0x3FB1]  }
0x2d: {  	s3 =	simm.s32 $0x108;
	s8 =	sld [smem:$0x3FB2]  }
0x2e: {  	s3 =	simm.s32 @!p0 $0x1082;
	s9 =	sld [smem:$0x3FB3]  }
0x2f: {  	lr =	sadd.s32 s0, s3;
	s0 =	sld [smem:$0x3FAA]  }
0x30: {  	s3 =	sld [smem:$0x3FAD]  }
0x31: {  	[smem:$0x3FB6] =	sst s10  }
0x32: {  	s10 =	sld [smem:$0x3FB4];
	_ =	sdelay $0x3  }
0x33: {  	p0 =	seq.s32 s10, $0x1;
	s10 =	sld [smem:$0x3FB6];
	_ =	sdelay $0x3  }
0x34: {  	[smem:$0x3FB6] =	sst s10  }
0x35: {  	s10 =	sld [smem:$0x3FB5];
	_ =	sdelay $0x3  }
0x36: {  	p1 =	seq.s32 s10, $0x1;
	s10 =	sld [smem:$0x3FB6];
	_ =	sdelay $0x3  }
0x37: {  	[smem:$0x3FB6] =	sst s10  }
0x38: {  	s10 =	sld [smem:$0x3FB7]  }
0x39: {  	_ = 	snop;
	(pc) =	sbr.ind lr, $3  }
0x3a: {  	_ = 	snop  }
0x3b: {  	_ = 	snop  }
0x3c: {  	p2 =	seq.s32 s10, $0x1;
	s10 =	sld [smem:$0x3FB6]  }
0x3d: {  	_ =	shalt  }
0x3e: {  	_ =	shalt  }
0x3f: {  	_ =	shalt  }
0x40: {  	_ =	shalt  }
0x41: {  	_ =	shalt  }
0x42: {  	_ =	shalt  }
0x43: {  	_ =	shalt  }
0x44: {  	_ =	shalt  }
0x45: {  	_ =	shalt  }
0x46: {  	_ =	shalt  }
0x47: {  	_ =	shalt  }
0x48: {  	_ =	shalt  }
0x49: {  	_ =	shalt  }
0x4a: {  	_ =	shalt  }
0x4b: {  	_ =	shalt  }
0x4c: {  	_ =	shalt  }
0x4d: {  	_ =	shalt  }
0x4e: {  	_ =	shalt  }
0x4f: {  	_ =	shalt  }
0x50: {  	_ =	shalt  }
0x51: {  	_ =	shalt  }
0x52: {  	_ =	shalt  }
0x53: {  	_ =	shalt  }
0x54: {  	_ =	shalt  }
0x55: {  	_ =	shalt  }
0x56: {  	_ =	shalt  }
0x57: {  	_ =	shalt  }
0x58: {  	_ =	shalt  }
0x59: {  	_ =	shalt  }
0x5a: {  	_ =	shalt  }
0x5b: {  	_ =	shalt  }
0x5c: {  	_ =	shalt  }
0x5d: {  	_ =	shalt  }
0x5e: {  	_ =	shalt  }
0x5f: {  	_ =	shalt  }
0x60: {  	_ =	shalt  }
0x61: {  	_ =	shalt  }
0x62: {  	_ =	shalt  }
0x63: {  	_ =	shalt  }
0x64: {  	_ =	shalt  }
0x65: {  	_ =	shalt  }
0x66: {  	_ =	shalt  }
0x67: {  	_ =	shalt  }
0x68: {  	_ =	shalt  }
0x69: {  	_ =	shalt  }
0x6a: {  	_ =	shalt  }
0x6b: {  	_ =	shalt  }
0x6c: {  	_ =	shalt  }
0x6d: {  	_ =	shalt  }
0x6e: {  	_ =	shalt  }
0x6f: {  	_ =	shalt  }
0x70: {  	_ =	shalt  }
0x71: {  	_ =	shalt  }
0x72: {  	_ =	shalt  }
0x73: {  	_ =	shalt  }
0x74: {  	_ =	shalt  }
0x75: {  	_ =	shalt  }
0x76: {  	_ =	shalt  }
0x77: {  	_ =	shalt  }
0x78: {  	_ =	shalt  }
0x79: {  	_ =	shalt  }
0x7a: {  	_ =	shalt  }
0x7b: {  	_ =	shalt  }
0x7c: {  	_ =	shalt  }
0x7d: {  	_ =	shalt  }
0x7e: {  	_ =	shalt  }
0x7f: {  	_ =	shalt  }
0x80: {  	_ =	shalt  }
0x81: {  	_ =	shalt  }
0x82: {  	_ =	shalt  }
0x83: {  	_ =	shalt  }
0x84: {  	_ =	shalt  }
0x85: {  	_ =	shalt  }
0x86: {  	_ =	shalt  }
0x87: {  	_ =	shalt  }
.Lfunc_end0:
.L_simem_size_0:
called_computation.1_lowered:
.L_overlay_start_0:
0x88: {  	s2 =	sld [smem:$0x3FD9]  }
0x89: {  	s3 =	sld [smem:$0x3FFE];
	_ =	sdelay $0x1  }
0x8a: {  	s1 =	srdreg.scid  }
0x8b: {  	s0 =	sand.u32 $0x1, s1  }
0x8c: {  	s16 =	sshll.u32 s0, $0xA;
	s2 =	sadd.s32 s3, s2  }
0x8d: {  	s2 =	sadd.s32 s2, s16  }
0x8e: {  	[smem:$0x3FC2] =	sst s2  }
0x8f: {  	_ = 	snop  }
0x90: {  	(tm) =	ssettm $0x1  }
0x91: {  	s17 =	sld [smem:$0x3FFB];
	_ =	sdelay $0x3  }
0x92: {  	_ =	strace s17  }
0x93: {  	s2 =	sld [smem:$0x3FFC];
	_ =	sdelay $0x3  }
0x94: {  	_ =	strace s2  }
0x95: {  	s2 =	sld [smem:$0x3FFD];
	_ =	sdelay $0x3  }
0x96: {  	_ =	strace s2  }
0x97: {  	_ =	strace $0x8FFFFFFF  }
0x98: {  	s18 =	sld [smem:$0x3FDB];
	_ =	sdelay $0x1  }
0x99: {  	s19 =	simm.s32 $_scs_section_size  }
0x9a: {  	s4 =	simm.s32 $_size__tile_overlayer_lowered;
	s5 =	simm.s32 $_tile_overlayer_lowered  }
0x9b: {  	s22 =	simm.s32 $0x1BFF;
	s21 =	sshll.u32 s5, $0x1;
	s2 =	sadd.s32 s19, s18  }
0x9c: {  	s6 =	simm.s32 $0x0;
	s20 =	sshll.u32 s4, $0x1;
	s4 =	sadd.s32 s21, s2  }
0x9d: {  	[timem:s6], [sflag:s22] =	dma.local [hbm:s4], s20  }
0x9e: {  	_ =	swait.ge [sflag:s22], s20  }
0x9f: {  	s3 =	ssub.s32 $0x0, s20;
	[sflag:s22] =	ssyncset.done $0x0  }
0xa0: {  	[sflag:s22] =	ssyncadd.s32 s3;
	_ =	sdelay $0x1  }
0xa1: {  	s23 =	simm.s32 $0x1B8B  }
0xa2: {  	_ =	swait.ge [sflag:s23], $0x1  }
0xa3: {  	[sflag:s23] =	ssyncset.done $0x0  }
0xa4: {  	s25 =	simm.s32 $0x1B8E;
	s24 =	sld [smem:$0x3FFE];
	[sflag:s23] =	ssyncadd.s32 $0xFFFFFFFF  }
0xa5: {  	s26 =	simm.s32 $execute0_lowered;
	[smem:$0x3FD2] =	sst s25  }
0xa6: {  	s4 =	sshll.u32 s26, $0x1;
	_ =	strace $0x80000049;
	[dreg:$0x1] =	wrdreg $0xFFFFFFFF  }
0xa7: {  	s28 =	simm.s32 $_size_execute0_lowered;
	s2 =	sadd.s32 s2, s4;
	[dreg:$0x0] =	wrdreg $0x0  }
0xa8: {  	s4 =	sshll.u32 s28, $0x1;
	[dreg:$0x2] =	wrdreg s2  }
0xa9: {  	[dreg:$0x3] =	wrdreg s4  }
0xaa: {  	[dreg:$0x4] =	wrdreg $0xC0  }
0xab: {  	_ =	task [dreg:s6], $0x5FFFF  }
0xac: {  	[dreg:$0x1] =	wrdreg $0xFFFFFFFF  }
0xad: {  	[dreg:$0x0] =	wrdreg $0x60  }
0xae: {  	[dreg:$0x2] =	wrdreg s24  }
0xaf: {  	[dreg:$0x3] =	wrdreg $0x9  }
0xb0: {  	_ =	task.clear_ibuf [dreg:s6], $0x4FFFF;
	_ =	strace $0x90000049  }
0xb1: {  	s29 =	simm.s32 $0x9;
	_ =	strace $0x8000004B  }
0xb2: {  	_ =	swait.ge [sflag:s29], $0x1  }
0xb3: {  	[sflag:s29] =	ssyncadd.s32 $0xFFFFFFFF  }
0xb4: {  	_ =	strace $0x9000004B  }
0xb5: {  	_ =	sfence  }
0xb6: {  	s30 =	sld [smem:$0x0];
	_ =	sdelay $0x2  }
0xb7: {  	s31 =	sshll.u32 s1, $0xD;
	s1 =	sshrl.u32 s1, $0x2  }
0xb8: {  	s3 =	sand.u32 $0x4000, s31;
	s1 =	sadd.s32 s1, s30  }
0xb9: {  	s0 =	sor.u32 s3, s0;
	s1 =	sshll.u32 s1, $0x11  }
0xba: {  	s0 =	sor.u32 s1, s0  }
0xbb: {  	s0 =	sadd.s32 $0x8F2B, s0  }
0xbc: {  	[sflag:s0] =	ssyncadd.remote.s32 $0x1  }
0xbd: {  	_ =	sfence.sel $0xFFFF  }
0xbe: {  	[dreg:$0x0] =	wrdreg $0xFFFFFFFF;
	(pc) =	sbr.abs _section_cstart, $3  }
0xbf: {  	[dreg:$0x1] =	wrdreg $0xFFFFFFFF  }
0xc0: {  	_ =	task.clear_ibuf [dreg:s6], $0x2FFFF;
	_ =	strace $0x9FFFFFFF  }
0xc1: {  	(tm) =	ssettm $0x7FFFFFFF  }
tec
execute0_lowered:
.L_overlay_start_1:
0x0: {  	(tag) =	ssettag $0x1  }
0x1: {  	s0 =	rddreg [dreg:$0x0];
	s1 =	simm.s32 $0x0  }
0x2: {  	s30 =	srdreg.scid;
	s4 =	stileid.u32;
	s17 =	simm.s32 $0x1  }
0x3: {  	s14 =	simm.s32 $0x680;
	s15 =	simm.s32 $0xA80;
	s16 =	simm.s32 $0xE80  }
0x4: {  	s18 =	simm.s32 $0x300;
	s19 =	simm.s32 $0x700;
	s20 =	simm.s32 $0xB00  }
0x5: {  	s21 =	simm.s32 $0xF00;
	s22 =	simm.s32 $0x380;
	s23 =	simm.s32 $0x780  }
0x6: {  	s24 =	simm.s32 $0xB80;
	s25 =	simm.s32 $0xF80;
	s26 =	simm.s32 $0x1000  }
0x7: {  	[smem:$0x7FF] =	sst s1;
	s1 =	sand.u32 $0x1, s30;
	s3 =	sadd.s32 $0xB400, s0  }
0x8: {  	s6 =	sshll.u32 s4, $0xC;
	s4 =	sadd.s32 $0x4B400, s0;
	s7 =	sadd.s32 $0xB420, s0  }
0x9: {  	s8 =	sadd.s32 $0xB430, s0;
	s9 =	sadd.s32 $0x2B400, s0;
	s2 =	ssub.s32 $0x2, s1  }
0xa: {  	s10 =	sadd.s32 $0x2B410, s0;
	s11 =	sadd.s32 $0x2B420, s0;
	s5 =	sshrl.u32 s2, $0x1  }
0xb: {  	s12 =	sadd.s32 $0x2B430, s0;
	s1 =	sshll.u32 s1, $0x10;
	s2 =	ssub.s32 s2, s5  }
0xc: {  	_ =	strace $0x8000004A;
	s5 =	sor.u32 s6, s1;
	s31 =	smax.u32 s2, $0x1  }
0xd: {  	s6 =	sadd.s32 $0xB410, s0;
	s1 =	simm.s32 $0x0;
	[dreg:$0x2] =	wrdreg s31  }
.LBB2_1:
0xe: {  	[dreg:$0x3] =	wrdreg s1;
	s28 =	simm.s32 $0x0  }
.LBB2_2:
0xf: {  	s0 =	sshll.u32 s28, $0x8  }
0x10: {  	s29 =	sadd.s32 s5, s0  }
0x11: {  	s30 =	simm.s32 $0x0;
	s0 =	sadd.s32 s3, s29  }
0x12: {  	[tilespmem:s30], [sflag:$0x1] =	stream.linear.gather [hbm4b:s0+s30], $0x80, $0x38;
	[tilespmem:$0x1800] =	vst v63  }
0x13: {  	s1 =	simm.s32 $0x400;
	s31 =	sadd.s32 $0x40, s0  }
0x14: {  	[tilespmem:s1], [sflag:$0x1] =	stream.linear.gather [hbm4b:s31+s30], $0x80, $0x38;
	[tilespmem:$0x1800] =	vst v63  }
0x15: {  	s13 =	simm.s32 $0x800;
	s31 =	sadd.s32 $0x80, s0  }
0x16: {  	[tilespmem:s13], [sflag:$0x1] =	stream.linear.gather [hbm4b:s31+s30], $0x80, $0x38;
	[tilespmem:$0x1800] =	vst v63  }
0x17: {  	s2 =	simm.s32 $0xC00;
	s0 =	sadd.s32 $0xC0, s0  }
0x18: {  	[tilespmem:s2], [sflag:$0x1] =	stream.linear.gather [hbm4b:s0+s30], $0x80, $0x38;
	[tilespmem:$0x1800] =	vst v63  }
0x19: {  	_ =	swait.ge [sflag:s17], $0x200  }
0x1a: {  	[sflag:s17] =	ssyncset.done $0x0  }
0x1b: {  	s13 =	simm.s32 $0x80;
	s0 =	sadd.s32 s29, s6;
	[sflag:s17] =	ssyncadd.s32 $0xFFFFFE00  }
0x1c: {  	[tilespmem:s13], [sflag:$0x1] =	stream.linear.gather [hbm4b:s0+s30], $0x80, $0x38;
	[tilespmem:$0x1800] =	vst v63  }
0x1d: {  	s2 =	simm.s32 $0x480;
	s31 =	sadd.s32 $0x40, s0  }
0x1e: {  	[tilespmem:s2], [sflag:$0x1] =	stream.linear.gather [hbm4b:s31+s30], $0x80, $0x38;
	[tilespmem:$0x1800] =	vst v63  }
0x1f: {  	s13 =	simm.s32 $0x880;
	s31 =	sadd.s32 $0x80, s0  }
0x20: {  	[tilespmem:s13], [sflag:$0x1] =	stream.linear.gather [hbm4b:s31+s30], $0x80, $0x38;
	[tilespmem:$0x1800] =	vst v63  }
0x21: {  	s0 =	sadd.s32 $0xC0, s0;
	s2 =	simm.s32 $0xC80  }
0x22: {  	[tilespmem:s2], [sflag:$0x1] =	stream.linear.gather [hbm4b:s0+s30], $0x80, $0x38;
	[tilespmem:$0x1800] =	vst v63  }
0x23: {  	_ =	swait.ge [sflag:s17], $0x200  }
0x24: {  	[sflag:s17] =	ssyncset.done $0x0  }
0x25: {  	s13 =	simm.s32 $0x100;
	s0 =	sadd.s32 s29, s7;
	[sflag:s17] =	ssyncadd.s32 $0xFFFFFE00  }
0x26: {  	[tilespmem:s13], [sflag:$0x1] =	stream.linear.gather [hbm4b:s0+s30], $0x80, $0x38;
	[tilespmem:$0x1800] =	vst v63  }
0x27: {  	s2 =	simm.s32 $0x500;
	s31 =	sadd.s32 $0x40, s0  }
0x28: {  	[tilespmem:s2], [sflag:$0x1] =	stream.linear.gather [hbm4b:s31+s30], $0x80, $0x38;
	[tilespmem:$0x1800] =	vst v63  }
0x29: {  	s13 =	simm.s32 $0x900;
	s31 =	sadd.s32 $0x80, s0  }
0x2a: {  	[tilespmem:s13], [sflag:$0x1] =	stream.linear.gather [hbm4b:s31+s30], $0x80, $0x38;
	[tilespmem:$0x1800] =	vst v63  }
0x2b: {  	s0 =	sadd.s32 $0xC0, s0;
	s2 =	simm.s32 $0xD00  }
0x2c: {  	[tilespmem:s2], [sflag:$0x1] =	stream.linear.gather [hbm4b:s0+s30], $0x80, $0x38;
	[tilespmem:$0x1800] =	vst v63  }
0x2d: {  	_ =	swait.ge [sflag:s17], $0x200  }
0x2e: {  	[sflag:s17] =	ssyncset.done $0x0  }
0x2f: {  	s13 =	simm.s32 $0x180;
	s0 =	sadd.s32 s29, s8;
	[sflag:s17] =	ssyncadd.s32 $0xFFFFFE00  }
0x30: {  	[tilespmem:s13], [sflag:$0x1] =	stream.linear.gather [hbm4b:s0+s30], $0x80, $0x38;
	[tilespmem:$0x1800] =	vst v63  }
0x31: {  	s2 =	simm.s32 $0x580;
	s31 =	sadd.s32 $0x40, s0  }
0x32: {  	[tilespmem:s2], [sflag:$0x1] =	stream.linear.gather [hbm4b:s31+s30], $0x80, $0x38;
	[tilespmem:$0x1800] =	vst v63  }
0x33: {  	s13 =	simm.s32 $0x980;
	s31 =	sadd.s32 $0x80, s0  }
0x34: {  	[tilespmem:s13], [sflag:$0x1] =	stream.linear.gather [hbm4b:s31+s30], $0x80, $0x38;
	[tilespmem:$0x1800] =	vst v63  }
0x35: {  	s0 =	sadd.s32 $0xC0, s0;
	s2 =	simm.s32 $0xD80  }
0x36: {  	[tilespmem:s2], [sflag:$0x1] =	stream.linear.gather [hbm4b:s0+s30], $0x80, $0x38;
	[tilespmem:$0x1800] =	vst v63  }
0x37: {  	_ =	swait.ge [sflag:s17], $0x200  }
0x38: {  	[sflag:s17] =	ssyncset.done $0x0  }
0x39: {  	s13 =	simm.s32 $0x200;
	s0 =	sadd.s32 s29, s9;
	[sflag:s17] =	ssyncadd.s32 $0xFFFFFE00  }
0x3a: {  	[tilespmem:s13], [sflag:$0x1] =	stream.linear.gather [hbm4b:s0+s30], $0x80, $0x38;
	[tilespmem:$0x1800] =	vst v63  }
0x3b: {  	s2 =	simm.s32 $0x600;
	s31 =	sadd.s32 $0x40, s0  }
0x3c: {  	[tilespmem:s2], [sflag:$0x1] =	stream.linear.gather [hbm4b:s31+s30], $0x80, $0x38;
	[tilespmem:$0x1800] =	vst v63  }
0x3d: {  	s13 =	simm.s32 $0xA00;
	s31 =	sadd.s32 $0x80, s0  }
0x3e: {  	[tilespmem:s13], [sflag:$0x1] =	stream.linear.gather [hbm4b:s31+s30], $0x80, $0x38;
	[tilespmem:$0x1800] =	vst v63  }
0x3f: {  	s0 =	sadd.s32 $0xC0, s0;
	s2 =	simm.s32 $0xE00  }
0x40: {  	[tilespmem:s2], [sflag:$0x1] =	stream.linear.gather [hbm4b:s0+s30], $0x80, $0x38;
	[tilespmem:$0x1800] =	vst v63  }
0x41: {  	_ =	swait.ge [sflag:s17], $0x200  }
0x42: {  	[sflag:s17] =	ssyncset.done $0x0  }
0x43: {  	s13 =	sadd.s32 s29, s10;
	s2 =	simm.s32 $0x280;
	[sflag:s17] =	ssyncadd.s32 $0xFFFFFE00  }
0x44: {  	[tilespmem:s2], [sflag:$0x1] =	stream.linear.gather [hbm4b:s13+s30], $0x80, $0x38;
	[tilespmem:$0x1800] =	vst v63  }
0x45: {  	s31 =	sadd.s32 $0x40, s13  }
0x46: {  	[tilespmem:s14], [sflag:$0x1] =	stream.linear.gather [hbm4b:s31+s30], $0x80, $0x38;
	[tilespmem:$0x1800] =	vst v63  }
0x47: {  	s31 =	sadd.s32 $0x80, s13  }
0x48: {  	[tilespmem:s15], [sflag:$0x1] =	stream.linear.gather [hbm4b:s31+s30], $0x80, $0x38;
	[tilespmem:$0x1800] =	vst v63  }
0x49: {  	s0 =	sadd.s32 $0xC0, s13  }
0x4a: {  	[tilespmem:s16], [sflag:$0x1] =	stream.linear.gather [hbm4b:s0+s30], $0x80, $0x38;
	[tilespmem:$0x1800] =	vst v63  }
0x4b: {  	_ =	swait.ge [sflag:s17], $0x200  }
0x4c: {  	[sflag:s17] =	ssyncset.done $0x0  }
0x4d: {  	s13 =	sadd.s32 s29, s11;
	[sflag:s17] =	ssyncadd.s32 $0xFFFFFE00  }
0x4e: {  	[tilespmem:s18], [sflag:$0x1] =	stream.linear.gather [hbm4b:s13+s30], $0x80, $0x38;
	[tilespmem:$0x1800] =	vst v63  }
0x4f: {  	s31 =	sadd.s32 $0x40, s13  }
0x50: {  	[tilespmem:s19], [sflag:$0x1] =	stream.linear.gather [hbm4b:s31+s30], $0x80, $0x38;
	[tilespmem:$0x1800] =	vst v63  }
0x51: {  	s31 =	sadd.s32 $0x80, s13  }
0x52: {  	[tilespmem:s20], [sflag:$0x1] =	stream.linear.gather [hbm4b:s31+s30], $0x80, $0x38;
	[tilespmem:$0x1800] =	vst v63  }
0x53: {  	s0 =	sadd.s32 $0xC0, s13  }
0x54: {  	[tilespmem:s21], [sflag:$0x1] =	stream.linear.gather [hbm4b:s0+s30], $0x80, $0x38;
	[tilespmem:$0x1800] =	vst v63  }
0x55: {  	_ =	swait.ge [sflag:s17], $0x200  }
0x56: {  	[sflag:s17] =	ssyncset.done $0x0  }
0x57: {  	s1 =	sadd.s32 s29, s12;
	[sflag:s17] =	ssyncadd.s32 $0xFFFFFE00  }
0x58: {  	[tilespmem:s22], [sflag:$0x1] =	stream.linear.gather [hbm4b:s1+s30], $0x80, $0x38;
	[tilespmem:$0x1800] =	vst v63  }
0x59: {  	s31 =	sadd.s32 $0x40, s1  }
0x5a: {  	[tilespmem:s23], [sflag:$0x1] =	stream.linear.gather [hbm4b:s31+s30], $0x80, $0x38;
	[tilespmem:$0x1800] =	vst v63  }
0x5b: {  	s31 =	sadd.s32 $0x80, s1  }
0x5c: {  	[tilespmem:s24], [sflag:$0x1] =	stream.linear.gather [hbm4b:s31+s30], $0x80, $0x38;
	[tilespmem:$0x1800] =	vst v63  }
0x5d: {  	s0 =	sadd.s32 $0xC0, s1  }
0x5e: {  	[tilespmem:s25], [sflag:$0x1] =	stream.linear.gather [hbm4b:s0+s30], $0x80, $0x38;
	[tilespmem:$0x1800] =	vst v63  }
0x5f: {  	s2 =	simm.s32 $0x0;
	_ =	swait.ge [sflag:s17], $0x200  }
0x60: {  	s31 =	sand.u32 $0x70, s30;
	s0 =	sand.u32 $0x3FFFFC00, s2;
	[sflag:s17] =	ssyncset.done $0x0  }
0x61: {  	s2 =	sor.u32 s31, s0;
	[sflag:s17] =	ssyncadd.s32 $0xFFFFFE00  }
0x62: {  	v0 =	vld [tilespmem:s2+$0x180]  }
0x63: {  	v1 =	vld [tilespmem:s2+$0x380];
	_ =	sdelay $0x4  }
0x64: {  	v0 =	vadd.f32 v1, v0;
	_ =	sdelay $0x1  }
0x65: {  	v0 =	vadd.f32 $9.999999930e-09, v0;
	_ =	sdelay $0x1  }
0x66: {  	(erf) = vrcp.f32 v0;
	_ =	sdelay $0x1  }
0x67: {  	v1 =	vld [tilespmem:s2+$0x0]  }
0x68: {  	v0 =	vld [tilespmem:s2+$0x200];
	_ =	sdelay $0x4  }
0x69: {  	v1 =	vadd.f32 v0, v1  }
0x6a: {  	s13 =	simm.s32 $0x0;
	v0 =	vpop (erf)  }
0x6b: {  	s0 =	sand.u32 $0x3FFFFE00, s13;
	v1 =	vmul.f32 v0, v1  }
0x6c: {  	s0 =	sor.u32 s31, s0  }
0x6d: {  	[tilespmem:s0+$0x1000] =	vst v1  }
0x6e: {  	v1 =	vld [tilespmem:s2+$0x80]  }
0x6f: {  	v2 =	vld [tilespmem:s2+$0x280];
	_ =	sdelay $0x4  }
0x70: {  	v1 =	vadd.f32 v2, v1;
	_ =	sdelay $0x1  }
0x71: {  	v1 =	vmul.f32 v1, v0;
	_ =	sdelay $0x1  }
0x72: {  	[tilespmem:s0+$0x1080] =	vst v1  }
0x73: {  	v1 =	vld [tilespmem:s2+$0x100]  }
0x74: {  	v2 =	vld [tilespmem:s2+$0x300];
	_ =	sdelay $0x4  }
0x75: {  	s31 =	simm.s32 $0x1;
	v1 =	vadd.f32 v2, v1  }
.LBB2_3:
0x76: {  	p0 =	sne.s32 s31, $0x1F  }
0x77: {  	s30 =	sadd.s32 $0x10, s30;
	s2 =	smov.u32 s31;
	s31 =	sadd.s32 $0x1, s31  }
0x78: {  	s13 =	sshll.u32 s2, $0x7;
	v0 =	vmul.f32 v1, v0  }
0x79: {  	s1 =	sand.u32 $0x70, s30;
	s13 =	sand.u32 $0x3FFFFC00, s13  }
0x7a: {  	s13 =	sor.u32 s1, s13;
	[tilespmem:s0+$0x1100] =	vst v0  }
0x7b: {  	v0 =	vld [tilespmem:s13+$0x180]  }
0x7c: {  	v1 =	vld [tilespmem:s13+$0x380];
	_ =	sdelay $0x4  }
0x7d: {  	v0 =	vadd.f32 v1, v0;
	_ =	sdelay $0x1  }
0x7e: {  	v0 =	vadd.f32 $9.999999930e-09, v0;
	_ =	sdelay $0x1  }
0x7f: {  	(erf) = vrcp.f32 v0  }
0x80: {  	v0 =	vld [tilespmem:s13+$0x200]  }
0x81: {  	v1 =	vld [tilespmem:s13+$0x0];
	_ =	sdelay $0x4  }
0x82: {  	v1 =	vadd.f32 v0, v1  }
0x83: {  	s0 =	sshll.u32 s2, $0x6  }
0x84: {  	s0 =	sand.u32 $0x3FFFFE00, s0;
	v0 =	vpop (erf)  }
0x85: {  	s0 =	sor.u32 s1, s0;
	v1 =	vmul.f32 v0, v1;
	_ =	sdelay $0x1  }
0x86: {  	[tilespmem:s0+$0x1000] =	vst v1  }
0x87: {  	v1 =	vld [tilespmem:s13+$0x80]  }
0x88: {  	v2 =	vld [tilespmem:s13+$0x280];
	_ =	sdelay $0x4  }
0x89: {  	v1 =	vadd.f32 v2, v1;
	_ =	sdelay $0x1  }
0x8a: {  	v1 =	vmul.f32 v1, v0;
	_ =	sdelay $0x1  }
0x8b: {  	[tilespmem:s0+$0x1080] =	vst v1  }
0x8c: {  	v1 =	vld [tilespmem:s13+$0x100]  }
0x8d: {  	v2 =	vld [tilespmem:s13+$0x300]  }
.Ltmp0:
0x8e: {  	(pc) =	sbr.rel @p0 .LBB2_3-.Ltmp0, $2  }
0x8f: {  	_ =	sdelay $0x2  }
0x90: {  	v1 =	vadd.f32 v2, v1  }
0x91: {  	_ = 	snop  }
0x92: {  	s28 =	sadd.s32 $0x1, s28;
	v0 =	vmul.f32 v1, v0  }
0x93: {  	p0 =	sne.s32 s28, $0x10  }
.Ltmp1:
0x94: {  	s31 =	sadd.s32 s4, s29;
	s1 =	simm.s32 $0x0;
	[tilespmem:s0+$0x1100] =	vst v0;
	(pc) =	sbr.rel @p0 .LBB2_2-.Ltmp1, $4  }
0x95: {  	[hbm4b:s31+s1] =	stream.linear.scatter [tilespmem:s26], [sflag:$0x1], $0x800, $0x38;
	[tilespmem:$0x1800] =	vst v63  }
0x96: {  	_ =	swait.ge [sflag:s17], $0x800  }
0x97: {  	[sflag:s17] =	ssyncset.done $0x0  }
0x98: {  	[sflag:s17] =	ssyncadd.s32 $0xFFFFF800  }
0x99: {  	s1 =	rddreg [dreg:$0x3]  }
0x9a: {  	s0 =	rddreg [dreg:$0x2];
	s1 =	sadd.s32 $0x1, s1  }
0x9b: {  	p0 =	sne.s32 s1, s0  }
.Ltmp2:
0x9c: {  	_ = 	snop;
	(pc) =	sbr.rel @p0 .LBB2_1-.Ltmp2, $1  }
0x9d: {  	_ =	sdelay $0x3  }
0x9e: {  	_ =	sfence.sel $0x180000  }
0x9f: {  	[bflag:$0x0] =	sbarrier.arrive $0xFFFF  }
0xa0: {  	_ =	strace $0x9000004A  }
0xa1: {  	s0 =	stileid.u32;
	[bflag:$0x2] =	sbarrier.arrive $0xFFFF  }
0xa2: {  	p0 =	sne.s32 s0, $0x0;
	s0 =	rddreg [dreg:$0x1]  }
0xa3: {  	s0 =	sadd.s32 @!p0 $0x100000, s0  }
0xa4: {  	[sflag:s0] =	ssyncadd.tile.s32 @!p0 $0x1;
	_ =	shalt  }
.Lfunc_end2:
_tile_overlayer_lowered:
.L_overlay_start_2:
0xa5: {  	(tag) =	ssettag $0x2  }
0xa6: {  	s0 =	rddreg [dreg:$0x0];
	s2 =	stileid.u32  }
0xa7: {  	s1 =	rddreg [dreg:$0x1];
	p0 =	sne.s32 s2, $0x0  }
0xa8: {  	s3 =	rddreg [dreg:$0x2];
	[bflag:$0x3] =	sbarrier.arrive $0xFFFF;
	s2 =	simm.s32 @!p0 $0x1C01  }
0xa9: {  	[timem:s3], [sflag:s2] =	dma.local @!p0 [hbm:s0], s1  }
0xaa: {  	s0 =	simm.s32 @!p0 $0x1  }
0xab: {  	_ =	swait.ge @!p0 [sflag:s0], s1  }
0xac: {  	s1 =	ssub.s32 @!p0 $0x0, s1;
	[sflag:s0] =	ssyncset.done @!p0 $0x0  }
0xad: {  	[sflag:s0] =	ssyncadd.s32 @!p0 s1  }
0xae: {  	[bflag:$0x3] =	sbarrier.arrive $0xFFFF  }
0xaf: {  	_ =	shalt  }

</sc_bundles>
